<compile_context>
chip_gen: v7x
topology: tpu7x:2x2x1
jax: 0.10.2.dev20260603
libtpu: 0.0.44.dev20260713+nightly
codegen_flags: <defaults>
</compile_context>

<pallas_src>
import functools

import jax
import jax.numpy as jnp
from jax import lax
from jax.experimental import pallas as pl
from jax.experimental.pallas import tpu as pltpu
from jax.experimental.pallas import tpu_sc as plsc

N_NODES = 10000
N_EDGES = 320000
D_FEAT = 128
DPB = 160
NC = 2
NS = 16
NW = NC * NS
CH = 128
EROWS = N_EDGES // CH
BASE = EROWS // NW
IPW = BASE + 1
NP = 10112
ROWS_PER_TILE = NP // NS
NB = 4


def _sc_aggregate(xp, er):
    mesh = plsc.VectorSubcoreMesh(
        core_axis_name="c", subcore_axis_name="s",
        num_cores=NC, num_subcores=NS)

    @functools.partial(
        pl.kernel,
        out_type=jax.ShapeDtypeStruct((NC, NP, DPB), jnp.bfloat16),
        mesh=mesh,
        scratch_types=[
            pltpu.VMEM((IPW, CH), jnp.int32),
            pltpu.VMEM((IPW, CH), jnp.int32),
            pltpu.VMEM((NB, CH, DPB), jnp.bfloat16),
            pltpu.VMEM_SHARED((NP, DPB), jnp.bfloat16),
            pltpu.SemaphoreType.DMA,
            pltpu.SemaphoreType.DMA,
        ],
        compiler_params=pltpu.CompilerParams(use_tc_tiling_on_sc=False),
    )
    def agg(xp_hbm, er_hbm, out_hbm, idx_s, idx_d, rows, acc,
            gsem, ssem):
        c = lax.axis_index("c")
        s = lax.axis_index("s")
        wid = c * NS + s

        zeros32 = jnp.zeros((32,), jnp.bfloat16)

        def zb(i, carry):
            r = i // (DPB // 32)
            j = i % (DPB // 32)
            rows[0, r, pl.ds(j * 32, 32)] = zeros32
            return carry

        lax.fori_loop(0, CH * (DPB // 32), zb, 0)
        tb = s * ROWS_PER_TILE
        for kk in range(ROWS_PER_TILE // CH):
            pltpu.sync_copy(rows.at[0], acc.at[pl.ds(tb + kk * CH, CH)])
        ztail = ROWS_PER_TILE % CH
        pltpu.sync_copy(rows.at[0, pl.ds(0, ztail)],
                        acc.at[pl.ds(tb + (ROWS_PER_TILE // CH) * CH, ztail)])
        plsc.subcore_barrier()

        brow = wid * BASE + jnp.maximum(wid - (NW - 4), 0)
        nrows = jnp.where(wid >= NW - 4, BASE + 1, BASE)
        pltpu.sync_copy(er_hbm.at[0, pl.ds(brow, IPW)], idx_s)
        pltpu.sync_copy(er_hbm.at[1, pl.ds(brow, IPW)], idx_d)

        def fire_g(chunk, b):
            pltpu.async_copy(xp_hbm.at[idx_s.at[chunk]], rows.at[b], gsem)

        def drain_g(b):
            pltpu.make_async_copy(
                xp_hbm.at[pl.ds(0, CH)], rows.at[b], gsem).wait()

        def fire_s(chunk, b):
            pltpu.async_copy(rows.at[b], acc.at[idx_d.at[chunk]], ssem,
                             add=True)

        def drain_s(b):
            pltpu.make_async_copy(
                rows.at[b], acc.at[pl.ds(0, CH)], ssem).wait()

        fire_g(0, 0)
        fire_g(1, 1)

        def step(ci, carry):
            b = lax.rem(ci, NB)
            f = lax.rem(ci + 2, NB)
            drain_g(b)
            fire_s(ci, b)

            @pl.when(ci >= 2)
            def _():
                drain_s(f)

            @pl.when(ci + 2 < nrows)
            def _():
                fire_g(ci + 2, f)
            return carry

        lax.fori_loop(0, nrows, step, 0)
        drain_s(lax.rem(nrows - 2, NB))
        drain_s(lax.rem(nrows - 1, NB))
        plsc.subcore_barrier()

        for kk in range(ROWS_PER_TILE // CH):
            rb = tb + kk * CH
            pltpu.sync_copy(acc.at[pl.ds(rb, CH)], rows.at[0])
            pltpu.sync_copy(rows.at[0], out_hbm.at[c, pl.ds(rb, CH)])
        rb = tb + (ROWS_PER_TILE // CH) * CH
        pltpu.sync_copy(acc.at[pl.ds(rb, ztail)], rows.at[0, pl.ds(0, ztail)])
        pltpu.sync_copy(rows.at[0, pl.ds(0, ztail)],
                        out_hbm.at[c, pl.ds(rb, ztail)])

    return agg(xp, er)


BLK = 400


def _tc_finish(x, parts, Wt, b2):
    def body(x_ref, p_ref, wt_ref, b_ref, o_ref):
        xb = x_ref[...]
        ps = (p_ref[0].astype(jnp.float32) + p_ref[1].astype(jnp.float32))
        msum = ps[:, :D_FEAT]
        cnt = ps[:, D_FEAT:D_FEAT + 1]
        y = jnp.where(cnt > 0, msum / jnp.maximum(cnt, 1.0), 0.0)
        h = jnp.concatenate([xb, y], axis=1)
        o_ref[...] = (jnp.dot(h, wt_ref[...],
                              preferred_element_type=jnp.float32)
                      + b_ref[...])

    return pl.pallas_call(
        body,
        grid=(N_NODES // BLK,),
        in_specs=[
            pl.BlockSpec((BLK, D_FEAT), lambda i: (i, 0)),
            pl.BlockSpec((NC, BLK, DPB), lambda i: (0, i, 0)),
            pl.BlockSpec((2 * D_FEAT, D_FEAT), lambda i: (0, 0)),
            pl.BlockSpec((1, D_FEAT), lambda i: (0, 0)),
        ],
        out_specs=pl.BlockSpec((BLK, D_FEAT), lambda i: (i, 0)),
        out_shape=jax.ShapeDtypeStruct((N_NODES, D_FEAT), jnp.float32),
    )(x, parts, Wt, b2)


def kernel(x, edge_index, w, W, b):
    er = edge_index.reshape(2, EROWS, CH)
    xp = jnp.concatenate(
        [x.astype(jnp.bfloat16),
         jnp.ones((N_NODES, 1), jnp.bfloat16),
         jnp.zeros((N_NODES, DPB - D_FEAT - 1), jnp.bfloat16)], axis=1)
    parts = _sc_aggregate(xp, er)
    return _tc_finish(x, parts, W.T, b.reshape(1, D_FEAT))

# --- scband reference (transcript-rebuilt; emitter-appended) ---
"""Pipeline reference for scband-sageconv-6536940224560 (READ-ONLY COPY).

The authoritative reference and input builder live on the scoring server;
editing this copy changes nothing except your own understanding.
"""

import jax, jax.numpy as jnp
import numpy as np

N = 10000
E = 320000
D = 128
C = 128


def setup_inputs(seed: int = 0) -> dict:
    key = jax.random.key(seed)
    k1, k2, k3, k4, k5 = jax.random.split(key, 5)
    x = jax.random.normal(k1, (N, D), dtype=jnp.float32)
    edge_index = jax.random.randint(k2, (2, E), 0, N, dtype=jnp.int32)
    w = jax.random.normal(k3, (E,), dtype=jnp.float32)
    # learned params of nn.Linear(in_feats*2, n_classes)
    W = jax.random.normal(k4, (C, 2 * D), dtype=jnp.float32) * 0.05
    b = jax.random.normal(k5, (C,), dtype=jnp.float32) * 0.05
    return {"x": x, "edge_index": edge_index, "w": w, "W": W, "b": b}


def reference(x, edge_index, w, W, b):
    # DGL update_all(copy_u('x','m'), mean('m','y')):
    # for each dst node, mean of source-node features over incoming edges.
    src = edge_index[0]
    dst = edge_index[1]
    n = x.shape[0]
    msg = jnp.take(x, src, axis=0)                       # gather  [E, D]
    msum = jax.ops.segment_sum(msg, dst, num_segments=n)  # scatter-add [N, D]
    cnt = jax.ops.segment_sum(jnp.ones((src.shape[0], 1), x.dtype), dst, num_segments=n)
    y = jnp.where(cnt > 0, msum / jnp.maximum(cnt, 1.0), 0.0)
    h = jnp.concatenate([x, y], axis=1)                  # [N, 2D]
    return h @ W.T + b                                   # [N, C]

if __name__ == "__main__":
    import jax
    _d = setup_inputs()
    print(jax.jit(kernel)(*tuple(_d.values())))

</pallas_src>

<mosaic_0001>
#map = affine_map<(d0, d1) -> (0, 0)>
#map1 = affine_map<(d0, d1) -> (0, 0, 0)>
module attributes {stable_mosaic.version = 14 : i64} {
  func.func @agg(%arg0: i32, %arg1: i32, %arg2: memref<10000x160xbf16, #tpu.memory_space<hbm>>, %arg3: memref<2x2500x128xi32, #tpu.memory_space<hbm>>, %arg4: memref<2x10112x160xbf16, #tpu.memory_space<hbm>>, %arg5: memref<79x128xi32, #tpu.memory_space<vmem>>, %arg6: memref<79x128xi32, #tpu.memory_space<vmem>>, %arg7: memref<4x128x160xbf16, #tpu.memory_space<vmem>>, %arg8: memref<10112x160xbf16, #tpu.memory_space<vmem_shared>>, %arg9: memref<!tpu.dma_semaphore, #tpu.memory_space<semaphore_mem>>, %arg10: memref<!tpu.dma_semaphore, #tpu.memory_space<semaphore_mem>>) attributes {dimension_semantics = [#tpu.dimension_semantics<core_parallel>, #tpu.dimension_semantics<subcore_parallel>], iteration_bounds = array<i64: 2, 16>, scalar_prefetch = 0 : i64, scratch_operands = 6 : i64, tpu.core_type = #tpu.core_type<sc_vector_subcore>, window_params = [{transform_indices = #map}, {transform_indices = #map1}, {transform_indices = #map1}]} {
    %mul3A = arith.constant 16 : i32
    %mul3A_0 = arith.muli %arg0, %mul3A : i32
    %add3A = arith.addi %mul3A_0, %arg1 : i32
    %broadcast_in_dim3A = arith.constant 0.000000e+00 : bf16
    %broadcast_in_dim3A_1 = vector.broadcast %broadcast_in_dim3A : bf16 to vector<32xbf16>
    %scan3A = arith.constant 0 : i32
    %scan3A_2 = arith.constant 0 : i32
    %scan3A_3 = arith.constant 640 : i32
    %scan3A_4 = arith.addi %scan3A_2, %scan3A_3 : i32
    %scan3A_5 = arith.constant 1 : i32
    scf.for %scan3A_119 = %scan3A_2 to %scan3A_4 step %scan3A_5  : i32 {
      %jit3A_120 = arith.constant 5 : i32
      %div3A = arith.divsi %scan3A_119, %jit3A_120 : i32
      %sign3A = arith.constant 0 : i32
      %sign3A_121 = arith.cmpi sgt, %scan3A_119, %sign3A : i32
      %sign3A_122 = arith.extui %sign3A_121 : i1 to i32
      %sign3A_123 = arith.constant 0 : i32
      %sign3A_124 = arith.cmpi slt, %scan3A_119, %sign3A_123 : i32
      %sign3A_125 = arith.extui %sign3A_124 : i1 to i32
      %sign3A_126 = arith.subi %sign3A_122, %sign3A_125 : i32
      %sign3A_127 = arith.constant 0 : i32
      %sign3A_128 = arith.cmpi sgt, %jit3A_120, %sign3A_127 : i32
      %sign3A_129 = arith.extui %sign3A_128 : i1 to i32
      %sign3A_130 = arith.constant 0 : i32
      %sign3A_131 = arith.cmpi slt, %jit3A_120, %sign3A_130 : i32
      %sign3A_132 = arith.extui %sign3A_131 : i1 to i32
      %sign3A_133 = arith.subi %sign3A_129, %sign3A_132 : i32
      %ne3A = arith.cmpi ne, %sign3A_126, %sign3A_133 : i32
      %rem3A_134 = arith.remsi %scan3A_119, %jit3A_120 : i32
      %ne3A_135 = arith.constant 0 : i32
      %ne3A_136 = arith.cmpi ne, %rem3A_134, %ne3A_135 : i32
      %and3A = arith.andi %ne3A, %ne3A_136 : i1
      %sub3A_137 = arith.constant 1 : i32
      %sub3A_138 = arith.subi %div3A, %sub3A_137 : i32
      %select_n3A_139 = arith.select %and3A, %sub3A_138, %div3A : i32
      %jit3A_140 = arith.constant 5 : i32
      %eq3A = arith.constant 0 : i32
      %eq3A_141 = arith.cmpi eq, %jit3A_140, %eq3A : i32
      %jit3A_142 = arith.constant 1 : i32
      %select_n3A_143 = arith.select %eq3A_141, %jit3A_142, %jit3A_140 : i32
      %rem3A_144 = arith.remsi %scan3A_119, %select_n3A_143 : i32
      %ne3A_145 = arith.constant 0 : i32
      %ne3A_146 = arith.cmpi ne, %rem3A_144, %ne3A_145 : i32
      %lt3A = arith.constant 0 : i32
      %lt3A_147 = arith.cmpi slt, %rem3A_144, %lt3A : i32
      %lt3A_148 = arith.constant 0 : i32
      %lt3A_149 = arith.cmpi slt, %select_n3A_143, %lt3A_148 : i32
      %ne3A_150 = arith.xori %lt3A_147, %lt3A_149 : i1
      %and3A_151 = arith.andi %ne3A_150, %ne3A_146 : i1
      %add3A_152 = arith.addi %rem3A_144, %select_n3A_143 : i32
      %select_n3A_153 = arith.select %and3A_151, %add3A_152, %rem3A_144 : i32
      %mul3A_154 = arith.constant 32 : i32
      %mul3A_155 = arith.muli %select_n3A_153, %mul3A_154 : i32
      %swap3A = arith.constant 0 : i32
      %swap3A_156 = arith.index_cast %swap3A : i32 to index
      %swap3A_157 = arith.index_cast %select_n3A_139 : i32 to index
      %swap3A_158 = arith.index_cast %mul3A_155 : i32 to index
      %swap3A_159 = tpu.vector_load %arg7[%swap3A_156, %swap3A_157, %swap3A_158] {strides = array<i32>} : memref<4x128x160xbf16, #tpu.memory_space<vmem>>, vector<1x1x32xbf16>,
      %swap3A_160 = vector.shape_cast %swap3A_159 : vector<1x1x32xbf16> to vector<32xbf16>
      %swap3A_161 = vector.shape_cast %broadcast_in_dim3A_1 : vector<32xbf16> to vector<1x1x32xbf16>
      tpu.vector_store %arg7[%swap3A_156, %swap3A_157, %swap3A_158], %swap3A_161 {strides = array<i32>} : memref<4x128x160xbf16, #tpu.memory_space<vmem>>, vector<1x1x32xbf16>,
    }
    %scan3A_6 = arith.constant 640 : i32
    %mul3A_7 = arith.constant 632 : i32
    %mul3A_8 = arith.muli %arg1, %mul3A_7 : i32
    %add3A_9 = arith.constant 0 : i32
    %add3A_10 = arith.addi %mul3A_8, %add3A_9 : i32
    %run_scoped3A = arith.constant 0 : i32
    "tpu.region"() ({
      %run_scoped3A_119 = tpu.sem_alloc : memref<!tpu.dma_semaphore, #tpu.memory_space<semaphore_mem>>
      %dma_start3A_120 = arith.constant 0 : i32
      %dma_start3A_121 = arith.constant 0 : i32
      %dma_start3A_122 = tpu.memref_slice %arg7[%run_scoped3A, %dma_start3A_120, %dma_start3A_121] : memref<4x128x160xbf16, #tpu.memory_space<vmem>> -> memref<1x128x160xbf16, #tpu.memory_space<vmem>>
      %dma_start3A_123 = tpu.memref_squeeze %dma_start3A_122 : memref<1x128x160xbf16, #tpu.memory_space<vmem>> -> memref<128x160xbf16, #tpu.memory_space<vmem>>
      %dma_start3A_124 = arith.constant 0 : i32
      %dma_start3A_125 = tpu.memref_slice %arg8[%add3A_10, %dma_start3A_124] : memref<10112x160xbf16, #tpu.memory_space<vmem_shared>> -> memref<128x160xbf16, #tpu.memory_space<vmem_shared>>
      %dma_start3A_126 = arith.constant 0 : i32
      %dma_start3A_127 = tpu.memref_slice %arg8[%add3A_10, %dma_start3A_126] : memref<10112x160xbf16, #tpu.memory_space<vmem_shared>> -> memref<128x160xbf16, #tpu.memory_space<vmem_shared>>
      %dma_start3A_128 = arith.constant 0 : i32
      %dma_start3A_129 = arith.constant 0 : i32
      %dma_start3A_130 = tpu.memref_slice %arg7[%run_scoped3A, %dma_start3A_128, %dma_start3A_129] : memref<4x128x160xbf16, #tpu.memory_space<vmem>> -> memref<1x128x160xbf16, #tpu.memory_space<vmem>>
      %dma_start3A_131 = tpu.memref_squeeze %dma_start3A_130 : memref<1x128x160xbf16, #tpu.memory_space<vmem>> -> memref<128x160xbf16, #tpu.memory_space<vmem>>
      tpu.enqueue_dma source(%dma_start3A_131 : memref<128x160xbf16, #tpu.memory_space<vmem>>) target(%dma_start3A_127 : memref<128x160xbf16, #tpu.memory_space<vmem_shared>>) target_semaphore(%run_scoped3A_119 : memref<!tpu.dma_semaphore, #tpu.memory_space<semaphore_mem>>)
      %dma_wait3A_132 = arith.constant 0 : i32
      %dma_wait3A_133 = arith.constant 0 : i32
      %dma_wait3A_134 = tpu.memref_slice %arg7[%run_scoped3A, %dma_wait3A_132, %dma_wait3A_133] : memref<4x128x160xbf16, #tpu.memory_space<vmem>> -> memref<1x128x160xbf16, #tpu.memory_space<vmem>>
      %dma_wait3A_135 = tpu.memref_squeeze %dma_wait3A_134 : memref<1x128x160xbf16, #tpu.memory_space<vmem>> -> memref<128x160xbf16, #tpu.memory_space<vmem>>
      %dma_wait3A_136 = arith.constant 0 : i32
      %dma_wait3A_137 = tpu.memref_slice %arg8[%add3A_10, %dma_wait3A_136] : memref<10112x160xbf16, #tpu.memory_space<vmem_shared>> -> memref<128x160xbf16, #tpu.memory_space<vmem_shared>>
      %dma_wait3A_138 = arith.constant 0 : i32
      %dma_wait3A_139 = tpu.memref_slice %arg8[%add3A_10, %dma_wait3A_138] : memref<10112x160xbf16, #tpu.memory_space<vmem_shared>> -> memref<128x160xbf16, #tpu.memory_space<vmem_shared>>
      %dma_wait3A_140 = arith.constant 0 : i32
      %dma_wait3A_141 = arith.constant 0 : i32
      %dma_wait3A_142 = tpu.memref_slice %arg7[%run_scoped3A, %dma_wait3A_140, %dma_wait3A_141] : memref<4x128x160xbf16, #tpu.memory_space<vmem>> -> memref<1x128x160xbf16, #tpu.memory_space<vmem>>
      %dma_wait3A_143 = tpu.memref_squeeze %dma_wait3A_142 : memref<1x128x160xbf16, #tpu.memory_space<vmem>> -> memref<128x160xbf16, #tpu.memory_space<vmem>>
      tpu.wait_dma2 semaphore(%run_scoped3A_119 : memref<!tpu.dma_semaphore, #tpu.memory_space<semaphore_mem>>) src(%dma_wait3A_143 : memref<128x160xbf16, #tpu.memory_space<vmem>>) dst(%dma_wait3A_139 : memref<128x160xbf16, #tpu.memory_space<vmem_shared>>)
      tpu.yield
    }) : () -> ()
    %add3A_11 = arith.constant 128 : i32
    %add3A_12 = arith.addi %mul3A_8, %add3A_11 : i32
    %run_scoped3A_13 = arith.constant 0 : i32
    "tpu.region"() ({
      %run_scoped3A_119 = tpu.sem_alloc : memref<!tpu.dma_semaphore, #tpu.memory_space<semaphore_mem>>
      %dma_start3A_120 = arith.constant 0 : i32
      %dma_start3A_121 = arith.constant 0 : i32
      %dma_start3A_122 = tpu.memref_slice %arg7[%run_scoped3A_13, %dma_start3A_120, %dma_start3A_121] : memref<4x128x160xbf16, #tpu.memory_space<vmem>> -> memref<1x128x160xbf16, #tpu.memory_space<vmem>>
      %dma_start3A_123 = tpu.memref_squeeze %dma_start3A_122 : memref<1x128x160xbf16, #tpu.memory_space<vmem>> -> memref<128x160xbf16, #tpu.memory_space<vmem>>
      %dma_start3A_124 = arith.constant 0 : i32
      %dma_start3A_125 = tpu.memref_slice %arg8[%add3A_12, %dma_start3A_124] : memref<10112x160xbf16, #tpu.memory_space<vmem_shared>> -> memref<128x160xbf16, #tpu.memory_space<vmem_shared>>
      %dma_start3A_126 = arith.constant 0 : i32
      %dma_start3A_127 = tpu.memref_slice %arg8[%add3A_12, %dma_start3A_126] : memref<10112x160xbf16, #tpu.memory_space<vmem_shared>> -> memref<128x160xbf16, #tpu.memory_space<vmem_shared>>
      %dma_start3A_128 = arith.constant 0 : i32
      %dma_start3A_129 = arith.constant 0 : i32
      %dma_start3A_130 = tpu.memref_slice %arg7[%run_scoped3A_13, %dma_start3A_128, %dma_start3A_129] : memref<4x128x160xbf16, #tpu.memory_space<vmem>> -> memref<1x128x160xbf16, #tpu.memory_space<vmem>>
      %dma_start3A_131 = tpu.memref_squeeze %dma_start3A_130 : memref<1x128x160xbf16, #tpu.memory_space<vmem>> -> memref<128x160xbf16, #tpu.memory_space<vmem>>
      tpu.enqueue_dma source(%dma_start3A_131 : memref<128x160xbf16, #tpu.memory_space<vmem>>) target(%dma_start3A_127 : memref<128x160xbf16, #tpu.memory_space<vmem_shared>>) target_semaphore(%run_scoped3A_119 : memref<!tpu.dma_semaphore, #tpu.memory_space<semaphore_mem>>)
      %dma_wait3A_132 = arith.constant 0 : i32
      %dma_wait3A_133 = arith.constant 0 : i32
      %dma_wait3A_134 = tpu.memref_slice %arg7[%run_scoped3A_13, %dma_wait3A_132, %dma_wait3A_133] : memref<4x128x160xbf16, #tpu.memory_space<vmem>> -> memref<1x128x160xbf16, #tpu.memory_space<vmem>>
      %dma_wait3A_135 = tpu.memref_squeeze %dma_wait3A_134 : memref<1x128x160xbf16, #tpu.memory_space<vmem>> -> memref<128x160xbf16, #tpu.memory_space<vmem>>
      %dma_wait3A_136 = arith.constant 0 : i32
      %dma_wait3A_137 = tpu.memref_slice %arg8[%add3A_12, %dma_wait3A_136] : memref<10112x160xbf16, #tpu.memory_space<vmem_shared>> -> memref<128x160xbf16, #tpu.memory_space<vmem_shared>>
      %dma_wait3A_138 = arith.constant 0 : i32
      %dma_wait3A_139 = tpu.memref_slice %arg8[%add3A_12, %dma_wait3A_138] : memref<10112x160xbf16, #tpu.memory_space<vmem_shared>> -> memref<128x160xbf16, #tpu.memory_space<vmem_shared>>
      %dma_wait3A_140 = arith.constant 0 : i32
      %dma_wait3A_141 = arith.constant 0 : i32
      %dma_wait3A_142 = tpu.memref_slice %arg7[%run_scoped3A_13, %dma_wait3A_140, %dma_wait3A_141] : memref<4x128x160xbf16, #tpu.memory_space<vmem>> -> memref<1x128x160xbf16, #tpu.memory_space<vmem>>
      %dma_wait3A_143 = tpu.memref_squeeze %dma_wait3A_142 : memref<1x128x160xbf16, #tpu.memory_space<vmem>> -> memref<128x160xbf16, #tpu.memory_space<vmem>>
      tpu.wait_dma2 semaphore(%run_scoped3A_119 : memref<!tpu.dma_semaphore, #tpu.memory_space<semaphore_mem>>) src(%dma_wait3A_143 : memref<128x160xbf16, #tpu.memory_space<vmem>>) dst(%dma_wait3A_139 : memref<128x160xbf16, #tpu.memory_space<vmem_shared>>)
      tpu.yield
    }) : () -> ()
    %add3A_14 = arith.constant 256 : i32
    %add3A_15 = arith.addi %mul3A_8, %add3A_14 : i32
    %run_scoped3A_16 = arith.constant 0 : i32
    "tpu.region"() ({
      %run_scoped3A_119 = tpu.sem_alloc : memref<!tpu.dma_semaphore, #tpu.memory_space<semaphore_mem>>
      %dma_start3A_120 = arith.constant 0 : i32
      %dma_start3A_121 = arith.constant 0 : i32
      %dma_start3A_122 = tpu.memref_slice %arg7[%run_scoped3A_16, %dma_start3A_120, %dma_start3A_121] : memref<4x128x160xbf16, #tpu.memory_space<vmem>> -> memref<1x128x160xbf16, #tpu.memory_space<vmem>>
      %dma_start3A_123 = tpu.memref_squeeze %dma_start3A_122 : memref<1x128x160xbf16, #tpu.memory_space<vmem>> -> memref<128x160xbf16, #tpu.memory_space<vmem>>
      %dma_start3A_124 = arith.constant 0 : i32
      %dma_start3A_125 = tpu.memref_slice %arg8[%add3A_15, %dma_start3A_124] : memref<10112x160xbf16, #tpu.memory_space<vmem_shared>> -> memref<128x160xbf16, #tpu.memory_space<vmem_shared>>
      %dma_start3A_126 = arith.constant 0 : i32
      %dma_start3A_127 = tpu.memref_slice %arg8[%add3A_15, %dma_start3A_126] : memref<10112x160xbf16, #tpu.memory_space<vmem_shared>> -> memref<128x160xbf16, #tpu.memory_space<vmem_shared>>
      %dma_start3A_128 = arith.constant 0 : i32
      %dma_start3A_129 = arith.constant 0 : i32
      %dma_start3A_130 = tpu.memref_slice %arg7[%run_scoped3A_16, %dma_start3A_128, %dma_start3A_129] : memref<4x128x160xbf16, #tpu.memory_space<vmem>> -> memref<1x128x160xbf16, #tpu.memory_space<vmem>>
      %dma_start3A_131 = tpu.memref_squeeze %dma_start3A_130 : memref<1x128x160xbf16, #tpu.memory_space<vmem>> -> memref<128x160xbf16, #tpu.memory_space<vmem>>
      tpu.enqueue_dma source(%dma_start3A_131 : memref<128x160xbf16, #tpu.memory_space<vmem>>) target(%dma_start3A_127 : memref<128x160xbf16, #tpu.memory_space<vmem_shared>>) target_semaphore(%run_scoped3A_119 : memref<!tpu.dma_semaphore, #tpu.memory_space<semaphore_mem>>)
      %dma_wait3A_132 = arith.constant 0 : i32
      %dma_wait3A_133 = arith.constant 0 : i32
      %dma_wait3A_134 = tpu.memref_slice %arg7[%run_scoped3A_16, %dma_wait3A_132, %dma_wait3A_133] : memref<4x128x160xbf16, #tpu.memory_space<vmem>> -> memref<1x128x160xbf16, #tpu.memory_space<vmem>>
      %dma_wait3A_135 = tpu.memref_squeeze %dma_wait3A_134 : memref<1x128x160xbf16, #tpu.memory_space<vmem>> -> memref<128x160xbf16, #tpu.memory_space<vmem>>
      %dma_wait3A_136 = arith.constant 0 : i32
      %dma_wait3A_137 = tpu.memref_slice %arg8[%add3A_15, %dma_wait3A_136] : memref<10112x160xbf16, #tpu.memory_space<vmem_shared>> -> memref<128x160xbf16, #tpu.memory_space<vmem_shared>>
      %dma_wait3A_138 = arith.constant 0 : i32
      %dma_wait3A_139 = tpu.memref_slice %arg8[%add3A_15, %dma_wait3A_138] : memref<10112x160xbf16, #tpu.memory_space<vmem_shared>> -> memref<128x160xbf16, #tpu.memory_space<vmem_shared>>
      %dma_wait3A_140 = arith.constant 0 : i32
      %dma_wait3A_141 = arith.constant 0 : i32
      %dma_wait3A_142 = tpu.memref_slice %arg7[%run_scoped3A_16, %dma_wait3A_140, %dma_wait3A_141] : memref<4x128x160xbf16, #tpu.memory_space<vmem>> -> memref<1x128x160xbf16, #tpu.memory_space<vmem>>
      %dma_wait3A_143 = tpu.memref_squeeze %dma_wait3A_142 : memref<1x128x160xbf16, #tpu.memory_space<vmem>> -> memref<128x160xbf16, #tpu.memory_space<vmem>>
      tpu.wait_dma2 semaphore(%run_scoped3A_119 : memref<!tpu.dma_semaphore, #tpu.memory_space<semaphore_mem>>) src(%dma_wait3A_143 : memref<128x160xbf16, #tpu.memory_space<vmem>>) dst(%dma_wait3A_139 : memref<128x160xbf16, #tpu.memory_space<vmem_shared>>)
      tpu.yield
    }) : () -> ()
    %add3A_17 = arith.constant 384 : i32
    %add3A_18 = arith.addi %mul3A_8, %add3A_17 : i32
    %run_scoped3A_19 = arith.constant 0 : i32
    "tpu.region"() ({
      %run_scoped3A_119 = tpu.sem_alloc : memref<!tpu.dma_semaphore, #tpu.memory_space<semaphore_mem>>
      %dma_start3A_120 = arith.constant 0 : i32
      %dma_start3A_121 = arith.constant 0 : i32
      %dma_start3A_122 = tpu.memref_slice %arg7[%run_scoped3A_19, %dma_start3A_120, %dma_start3A_121] : memref<4x128x160xbf16, #tpu.memory_space<vmem>> -> memref<1x128x160xbf16, #tpu.memory_space<vmem>>
      %dma_start3A_123 = tpu.memref_squeeze %dma_start3A_122 : memref<1x128x160xbf16, #tpu.memory_space<vmem>> -> memref<128x160xbf16, #tpu.memory_space<vmem>>
      %dma_start3A_124 = arith.constant 0 : i32
      %dma_start3A_125 = tpu.memref_slice %arg8[%add3A_18, %dma_start3A_124] : memref<10112x160xbf16, #tpu.memory_space<vmem_shared>> -> memref<128x160xbf16, #tpu.memory_space<vmem_shared>>
      %dma_start3A_126 = arith.constant 0 : i32
      %dma_start3A_127 = tpu.memref_slice %arg8[%add3A_18, %dma_start3A_126] : memref<10112x160xbf16, #tpu.memory_space<vmem_shared>> -> memref<128x160xbf16, #tpu.memory_space<vmem_shared>>
      %dma_start3A_128 = arith.constant 0 : i32
      %dma_start3A_129 = arith.constant 0 : i32
      %dma_start3A_130 = tpu.memref_slice %arg7[%run_scoped3A_19, %dma_start3A_128, %dma_start3A_129] : memref<4x128x160xbf16, #tpu.memory_space<vmem>> -> memref<1x128x160xbf16, #tpu.memory_space<vmem>>
      %dma_start3A_131 = tpu.memref_squeeze %dma_start3A_130 : memref<1x128x160xbf16, #tpu.memory_space<vmem>> -> memref<128x160xbf16, #tpu.memory_space<vmem>>
      tpu.enqueue_dma source(%dma_start3A_131 : memref<128x160xbf16, #tpu.memory_space<vmem>>) target(%dma_start3A_127 : memref<128x160xbf16, #tpu.memory_space<vmem_shared>>) target_semaphore(%run_scoped3A_119 : memref<!tpu.dma_semaphore, #tpu.memory_space<semaphore_mem>>)
      %dma_wait3A_132 = arith.constant 0 : i32
      %dma_wait3A_133 = arith.constant 0 : i32
      %dma_wait3A_134 = tpu.memref_slice %arg7[%run_scoped3A_19, %dma_wait3A_132, %dma_wait3A_133] : memref<4x128x160xbf16, #tpu.memory_space<vmem>> -> memref<1x128x160xbf16, #tpu.memory_space<vmem>>
      %dma_wait3A_135 = tpu.memref_squeeze %dma_wait3A_134 : memref<1x128x160xbf16, #tpu.memory_space<vmem>> -> memref<128x160xbf16, #tpu.memory_space<vmem>>
      %dma_wait3A_136 = arith.constant 0 : i32
      %dma_wait3A_137 = tpu.memref_slice %arg8[%add3A_18, %dma_wait3A_136] : memref<10112x160xbf16, #tpu.memory_space<vmem_shared>> -> memref<128x160xbf16, #tpu.memory_space<vmem_shared>>
      %dma_wait3A_138 = arith.constant 0 : i32
      %dma_wait3A_139 = tpu.memref_slice %arg8[%add3A_18, %dma_wait3A_138] : memref<10112x160xbf16, #tpu.memory_space<vmem_shared>> -> memref<128x160xbf16, #tpu.memory_space<vmem_shared>>
      %dma_wait3A_140 = arith.constant 0 : i32
      %dma_wait3A_141 = arith.constant 0 : i32
      %dma_wait3A_142 = tpu.memref_slice %arg7[%run_scoped3A_19, %dma_wait3A_140, %dma_wait3A_141] : memref<4x128x160xbf16, #tpu.memory_space<vmem>> -> memref<1x128x160xbf16, #tpu.memory_space<vmem>>
      %dma_wait3A_143 = tpu.memref_squeeze %dma_wait3A_142 : memref<1x128x160xbf16, #tpu.memory_space<vmem>> -> memref<128x160xbf16, #tpu.memory_space<vmem>>
      tpu.wait_dma2 semaphore(%run_scoped3A_119 : memref<!tpu.dma_semaphore, #tpu.memory_space<semaphore_mem>>) src(%dma_wait3A_143 : memref<128x160xbf16, #tpu.memory_space<vmem>>) dst(%dma_wait3A_139 : memref<128x160xbf16, #tpu.memory_space<vmem_shared>>)
      tpu.yield
    }) : () -> ()
    %add3A_20 = arith.constant 512 : i32
    %add3A_21 = arith.addi %mul3A_8, %add3A_20 : i32
    %run_scoped3A_22 = arith.constant 0 : i32
    "tpu.region"() ({
      %run_scoped3A_119 = tpu.sem_alloc : memref<!tpu.dma_semaphore, #tpu.memory_space<semaphore_mem>>
      %dma_start3A_120 = arith.constant 0 : i32
      %dma_start3A_121 = arith.constant 0 : i32
      %dma_start3A_122 = tpu.memref_slice %arg7[%run_scoped3A_22, %dma_start3A_120, %dma_start3A_121] : memref<4x128x160xbf16, #tpu.memory_space<vmem>> -> memref<1x120x160xbf16, #tpu.memory_space<vmem>>
      %dma_start3A_123 = tpu.memref_squeeze %dma_start3A_122 : memref<1x120x160xbf16, #tpu.memory_space<vmem>> -> memref<120x160xbf16, #tpu.memory_space<vmem>>
      %dma_start3A_124 = arith.constant 0 : i32
      %dma_start3A_125 = tpu.memref_slice %arg8[%add3A_21, %dma_start3A_124] : memref<10112x160xbf16, #tpu.memory_space<vmem_shared>> -> memref<120x160xbf16, #tpu.memory_space<vmem_shared>>
      %dma_start3A_126 = arith.constant 0 : i32
      %dma_start3A_127 = tpu.memref_slice %arg8[%add3A_21, %dma_start3A_126] : memref<10112x160xbf16, #tpu.memory_space<vmem_shared>> -> memref<120x160xbf16, #tpu.memory_space<vmem_shared>>
      %dma_start3A_128 = arith.constant 0 : i32
      %dma_start3A_129 = arith.constant 0 : i32
      %dma_start3A_130 = tpu.memref_slice %arg7[%run_scoped3A_22, %dma_start3A_128, %dma_start3A_129] : memref<4x128x160xbf16, #tpu.memory_space<vmem>> -> memref<1x120x160xbf16, #tpu.memory_space<vmem>>
      %dma_start3A_131 = tpu.memref_squeeze %dma_start3A_130 : memref<1x120x160xbf16, #tpu.memory_space<vmem>> -> memref<120x160xbf16, #tpu.memory_space<vmem>>
      tpu.enqueue_dma source(%dma_start3A_131 : memref<120x160xbf16, #tpu.memory_space<vmem>>) target(%dma_start3A_127 : memref<120x160xbf16, #tpu.memory_space<vmem_shared>>) target_semaphore(%run_scoped3A_119 : memref<!tpu.dma_semaphore, #tpu.memory_space<semaphore_mem>>)
      %dma_wait3A_132 = arith.constant 0 : i32
      %dma_wait3A_133 = arith.constant 0 : i32
      %dma_wait3A_134 = tpu.memref_slice %arg7[%run_scoped3A_22, %dma_wait3A_132, %dma_wait3A_133] : memref<4x128x160xbf16, #tpu.memory_space<vmem>> -> memref<1x120x160xbf16, #tpu.memory_space<vmem>>
      %dma_wait3A_135 = tpu.memref_squeeze %dma_wait3A_134 : memref<1x120x160xbf16, #tpu.memory_space<vmem>> -> memref<120x160xbf16, #tpu.memory_space<vmem>>
      %dma_wait3A_136 = arith.constant 0 : i32
      %dma_wait3A_137 = tpu.memref_slice %arg8[%add3A_21, %dma_wait3A_136] : memref<10112x160xbf16, #tpu.memory_space<vmem_shared>> -> memref<120x160xbf16, #tpu.memory_space<vmem_shared>>
      %dma_wait3A_138 = arith.constant 0 : i32
      %dma_wait3A_139 = tpu.memref_slice %arg8[%add3A_21, %dma_wait3A_138] : memref<10112x160xbf16, #tpu.memory_space<vmem_shared>> -> memref<120x160xbf16, #tpu.memory_space<vmem_shared>>
      %dma_wait3A_140 = arith.constant 0 : i32
      %dma_wait3A_141 = arith.constant 0 : i32
      %dma_wait3A_142 = tpu.memref_slice %arg7[%run_scoped3A_22, %dma_wait3A_140, %dma_wait3A_141] : memref<4x128x160xbf16, #tpu.memory_space<vmem>> -> memref<1x120x160xbf16, #tpu.memory_space<vmem>>
      %dma_wait3A_143 = tpu.memref_squeeze %dma_wait3A_142 : memref<1x120x160xbf16, #tpu.memory_space<vmem>> -> memref<120x160xbf16, #tpu.memory_space<vmem>>
      tpu.wait_dma2 semaphore(%run_scoped3A_119 : memref<!tpu.dma_semaphore, #tpu.memory_space<semaphore_mem>>) src(%dma_wait3A_143 : memref<120x160xbf16, #tpu.memory_space<vmem>>) dst(%dma_wait3A_139 : memref<120x160xbf16, #tpu.memory_space<vmem_shared>>)
      tpu.yield
    }) : () -> ()
    %barrier3A = arith.constant 0 : index
    tpu.barrier barrier_id(%barrier3A)
    %mul3A_23 = arith.constant 78 : i32
    %mul3A_24 = arith.muli %add3A, %mul3A_23 : i32
    %sub3A = arith.constant 28 : i32
    %sub3A_25 = arith.subi %add3A, %sub3A : i32
    %max3A = arith.constant 0 : i32
    %max3A_26 = arith.maxsi %sub3A_25, %max3A : i32
    %add3A_27 = arith.addi %mul3A_24, %max3A_26 : i32
    %ge3A = arith.constant 28 : i32
    %ge3A_28 = arith.cmpi sge, %add3A, %ge3A : i32
    %jit3A = arith.constant 79 : i32
    %jit3A_29 = arith.constant 78 : i32
    %select_n3A = arith.select %ge3A_28, %jit3A, %jit3A_29 : i32
    %run_scoped3A_30 = arith.constant 0 : i32
    "tpu.region"() ({
      %run_scoped3A_119 = tpu.sem_alloc : memref<!tpu.dma_semaphore, #tpu.memory_space<semaphore_mem>>
      %dma_start3A_120 = arith.constant 0 : i32
      %dma_start3A_121 = tpu.memref_slice %arg3[%run_scoped3A_30, %add3A_27, %dma_start3A_120] : memref<2x2500x128xi32, #tpu.memory_space<hbm>> -> memref<1x79x128xi32, #tpu.memory_space<hbm>>
      %dma_start3A_122 = tpu.memref_squeeze %dma_start3A_121 : memref<1x79x128xi32, #tpu.memory_space<hbm>> -> memref<79x128xi32, #tpu.memory_space<hbm>>
      %dma_start3A_123 = arith.constant 0 : i32
      %dma_start3A_124 = tpu.memref_slice %arg3[%run_scoped3A_30, %add3A_27, %dma_start3A_123] : memref<2x2500x128xi32, #tpu.memory_space<hbm>> -> memref<1x79x128xi32, #tpu.memory_space<hbm>>
      %dma_start3A_125 = tpu.memref_squeeze %dma_start3A_124 : memref<1x79x128xi32, #tpu.memory_space<hbm>> -> memref<79x128xi32, #tpu.memory_space<hbm>>
      tpu.enqueue_dma source(%dma_start3A_125 : memref<79x128xi32, #tpu.memory_space<hbm>>) target(%arg5 : memref<79x128xi32, #tpu.memory_space<vmem>>) target_semaphore(%run_scoped3A_119 : memref<!tpu.dma_semaphore, #tpu.memory_space<semaphore_mem>>)
      %dma_wait3A_126 = arith.constant 0 : i32
      %dma_wait3A_127 = tpu.memref_slice %arg3[%run_scoped3A_30, %add3A_27, %dma_wait3A_126] : memref<2x2500x128xi32, #tpu.memory_space<hbm>> -> memref<1x79x128xi32, #tpu.memory_space<hbm>>
      %dma_wait3A_128 = tpu.memref_squeeze %dma_wait3A_127 : memref<1x79x128xi32, #tpu.memory_space<hbm>> -> memref<79x128xi32, #tpu.memory_space<hbm>>
      %dma_wait3A_129 = arith.constant 0 : i32
      %dma_wait3A_130 = tpu.memref_slice %arg3[%run_scoped3A_30, %add3A_27, %dma_wait3A_129] : memref<2x2500x128xi32, #tpu.memory_space<hbm>> -> memref<1x79x128xi32, #tpu.memory_space<hbm>>
      %dma_wait3A_131 = tpu.memref_squeeze %dma_wait3A_130 : memref<1x79x128xi32, #tpu.memory_space<hbm>> -> memref<79x128xi32, #tpu.memory_space<hbm>>
      tpu.wait_dma2 semaphore(%run_scoped3A_119 : memref<!tpu.dma_semaphore, #tpu.memory_space<semaphore_mem>>) src(%dma_wait3A_131 : memref<79x128xi32, #tpu.memory_space<hbm>>) dst(%arg5 : memref<79x128xi32, #tpu.memory_space<vmem>>)
      tpu.yield
    }) : () -> ()
    %run_scoped3A_31 = arith.constant 1 : i32
    "tpu.region"() ({
      %run_scoped3A_119 = tpu.sem_alloc : memref<!tpu.dma_semaphore, #tpu.memory_space<semaphore_mem>>
      %dma_start3A_120 = arith.constant 0 : i32
      %dma_start3A_121 = tpu.memref_slice %arg3[%run_scoped3A_31, %add3A_27, %dma_start3A_120] : memref<2x2500x128xi32, #tpu.memory_space<hbm>> -> memref<1x79x128xi32, #tpu.memory_space<hbm>>
      %dma_start3A_122 = tpu.memref_squeeze %dma_start3A_121 : memref<1x79x128xi32, #tpu.memory_space<hbm>> -> memref<79x128xi32, #tpu.memory_space<hbm>>
      %dma_start3A_123 = arith.constant 0 : i32
      %dma_start3A_124 = tpu.memref_slice %arg3[%run_scoped3A_31, %add3A_27, %dma_start3A_123] : memref<2x2500x128xi32, #tpu.memory_space<hbm>> -> memref<1x79x128xi32, #tpu.memory_space<hbm>>
      %dma_start3A_125 = tpu.memref_squeeze %dma_start3A_124 : memref<1x79x128xi32, #tpu.memory_space<hbm>> -> memref<79x128xi32, #tpu.memory_space<hbm>>
      tpu.enqueue_dma source(%dma_start3A_125 : memref<79x128xi32, #tpu.memory_space<hbm>>) target(%arg6 : memref<79x128xi32, #tpu.memory_space<vmem>>) target_semaphore(%run_scoped3A_119 : memref<!tpu.dma_semaphore, #tpu.memory_space<semaphore_mem>>)
      %dma_wait3A_126 = arith.constant 0 : i32
      %dma_wait3A_127 = tpu.memref_slice %arg3[%run_scoped3A_31, %add3A_27, %dma_wait3A_126] : memref<2x2500x128xi32, #tpu.memory_space<hbm>> -> memref<1x79x128xi32, #tpu.memory_space<hbm>>
      %dma_wait3A_128 = tpu.memref_squeeze %dma_wait3A_127 : memref<1x79x128xi32, #tpu.memory_space<hbm>> -> memref<79x128xi32, #tpu.memory_space<hbm>>
      %dma_wait3A_129 = arith.constant 0 : i32
      %dma_wait3A_130 = tpu.memref_slice %arg3[%run_scoped3A_31, %add3A_27, %dma_wait3A_129] : memref<2x2500x128xi32, #tpu.memory_space<hbm>> -> memref<1x79x128xi32, #tpu.memory_space<hbm>>
      %dma_wait3A_131 = tpu.memref_squeeze %dma_wait3A_130 : memref<1x79x128xi32, #tpu.memory_space<hbm>> -> memref<79x128xi32, #tpu.memory_space<hbm>>
      tpu.wait_dma2 semaphore(%run_scoped3A_119 : memref<!tpu.dma_semaphore, #tpu.memory_space<semaphore_mem>>) src(%dma_wait3A_131 : memref<79x128xi32, #tpu.memory_space<hbm>>) dst(%arg6 : memref<79x128xi32, #tpu.memory_space<vmem>>)
      tpu.yield
    }) : () -> ()
    %dma_start3A = arith.constant 0 : i32
    %dma_start3A_32 = arith.constant 0 : i32
    %dma_start3A_33 = arith.constant 0 : i32
    %dma_start3A_34 = arith.constant 0 : i32
    %dma_start3A_35 = tpu.memref_slice %arg7[%dma_start3A_32, %dma_start3A_33, %dma_start3A_34] : memref<4x128x160xbf16, #tpu.memory_space<vmem>> -> memref<1x128x160xbf16, #tpu.memory_space<vmem>>
    %dma_start3A_36 = tpu.memref_squeeze %dma_start3A_35 : memref<1x128x160xbf16, #tpu.memory_space<vmem>> -> memref<128x160xbf16, #tpu.memory_space<vmem>>
    %dma_start3A_37 = arith.constant 0 : i32
    %dma_start3A_38 = tpu.memref_slice %arg5[%dma_start3A, %dma_start3A_37] : memref<79x128xi32, #tpu.memory_space<vmem>> -> memref<1x128xi32, #tpu.memory_space<vmem>>
    %dma_start3A_39 = tpu.memref_squeeze %dma_start3A_38 : memref<1x128xi32, #tpu.memory_space<vmem>> -> memref<128xi32, #tpu.memory_space<vmem>>
    %dma_start3A_40 = arith.constant 0 : i32
    %dma_start3A_41 = arith.constant 0 : i32
    %dma_start3A_42 = tpu.memref_slice %arg2[%dma_start3A_40, %dma_start3A_41] : memref<10000x160xbf16, #tpu.memory_space<hbm>> -> memref<10000x160xbf16, #tpu.memory_space<hbm>>
    tpu.enqueue_indirect_dma source(%dma_start3A_42 : memref<10000x160xbf16, #tpu.memory_space<hbm>>) target(%dma_start3A_36 : memref<128x160xbf16, #tpu.memory_space<vmem>>) offsets(%dma_start3A_39 : memref<128xi32, #tpu.memory_space<vmem>>) semaphore(%arg9 : memref<!tpu.dma_semaphore, #tpu.memory_space<semaphore_mem>>)
    %dma_start3A_43 = arith.constant 1 : i32
    %dma_start3A_44 = arith.constant 1 : i32
    %dma_start3A_45 = arith.constant 0 : i32
    %dma_start3A_46 = arith.constant 0 : i32
    %dma_start3A_47 = tpu.memref_slice %arg7[%dma_start3A_44, %dma_start3A_45, %dma_start3A_46] : memref<4x128x160xbf16, #tpu.memory_space<vmem>> -> memref<1x128x160xbf16, #tpu.memory_space<vmem>>
    %dma_start3A_48 = tpu.memref_squeeze %dma_start3A_47 : memref<1x128x160xbf16, #tpu.memory_space<vmem>> -> memref<128x160xbf16, #tpu.memory_space<vmem>>
    %dma_start3A_49 = arith.constant 0 : i32
    %dma_start3A_50 = tpu.memref_slice %arg5[%dma_start3A_43, %dma_start3A_49] : memref<79x128xi32, #tpu.memory_space<vmem>> -> memref<1x128xi32, #tpu.memory_space<vmem>>
    %dma_start3A_51 = tpu.memref_squeeze %dma_start3A_50 : memref<1x128xi32, #tpu.memory_space<vmem>> -> memref<128xi32, #tpu.memory_space<vmem>>
    %dma_start3A_52 = arith.constant 0 : i32
    %dma_start3A_53 = arith.constant 0 : i32
    %dma_start3A_54 = tpu.memref_slice %arg2[%dma_start3A_52, %dma_start3A_53] : memref<10000x160xbf16, #tpu.memory_space<hbm>> -> memref<10000x160xbf16, #tpu.memory_space<hbm>>
    tpu.enqueue_indirect_dma source(%dma_start3A_54 : memref<10000x160xbf16, #tpu.memory_space<hbm>>) target(%dma_start3A_48 : memref<128x160xbf16, #tpu.memory_space<vmem>>) offsets(%dma_start3A_51 : memref<128xi32, #tpu.memory_space<vmem>>) semaphore(%arg9 : memref<!tpu.dma_semaphore, #tpu.memory_space<semaphore_mem>>)
    %while3A = arith.constant 0 : i32
    %while3A_55 = arith.constant 0 : i32
    %while3A_56 = arith.subi %select_n3A, %while3A_55 : i32
    %while3A_57 = arith.addi %while3A_55, %while3A_56 : i32
    %while3A_58 = arith.constant 1 : i32
    %while3A_59 = arith.divsi %while3A_56, %while3A_58 : i32
    %while3A_60 = arith.muli %while3A_59, %while3A_58 : i32
    %while3A_61 = arith.addi %while3A_55, %while3A_60 : i32
    %while3A_62 = arith.constant 1 : i32
    scf.for %while3A_119 = %while3A_55 to %while3A_61 step %while3A_62  : i32 {
      %rem3A_120 = arith.constant 4 : i32
      %rem3A_121 = arith.remsi %while3A_119, %rem3A_120 : i32
      %add3A_122 = arith.constant 2 : i32
      %add3A_123 = arith.addi %while3A_119, %add3A_122 : i32
      %rem3A_124 = arith.constant 4 : i32
      %rem3A_125 = arith.remsi %add3A_123, %rem3A_124 : i32
      %dma_wait3A_126 = arith.constant 0 : i32
      %dma_wait3A_127 = arith.constant 0 : i32
      %dma_wait3A_128 = tpu.memref_slice %arg7[%rem3A_121, %dma_wait3A_126, %dma_wait3A_127] : memref<4x128x160xbf16, #tpu.memory_space<vmem>> -> memref<1x128x160xbf16, #tpu.memory_space<vmem>>
      %dma_wait3A_129 = tpu.memref_squeeze %dma_wait3A_128 : memref<1x128x160xbf16, #tpu.memory_space<vmem>> -> memref<128x160xbf16, #tpu.memory_space<vmem>>
      %dma_wait3A_130 = arith.constant 0 : i32
      %dma_wait3A_131 = arith.constant 0 : i32
      %dma_wait3A_132 = tpu.memref_slice %arg2[%dma_wait3A_130, %dma_wait3A_131] : memref<10000x160xbf16, #tpu.memory_space<hbm>> -> memref<128x160xbf16, #tpu.memory_space<hbm>>
      %dma_wait3A_133 = arith.constant 0 : i32
      %dma_wait3A_134 = arith.constant 0 : i32
      %dma_wait3A_135 = tpu.memref_slice %arg7[%rem3A_121, %dma_wait3A_133, %dma_wait3A_134] : memref<4x128x160xbf16, #tpu.memory_space<vmem>> -> memref<1x128x160xbf16, #tpu.memory_space<vmem>>
      %dma_wait3A_136 = tpu.memref_squeeze %dma_wait3A_135 : memref<1x128x160xbf16, #tpu.memory_space<vmem>> -> memref<128x160xbf16, #tpu.memory_space<vmem>>
      %dma_wait3A_137 = arith.constant 0 : i32
      %dma_wait3A_138 = arith.constant 0 : i32
      %dma_wait3A_139 = tpu.memref_slice %arg2[%dma_wait3A_137, %dma_wait3A_138] : memref<10000x160xbf16, #tpu.memory_space<hbm>> -> memref<128x160xbf16, #tpu.memory_space<hbm>>
      tpu.wait_dma2 semaphore(%arg9 : memref<!tpu.dma_semaphore, #tpu.memory_space<semaphore_mem>>) src(%dma_wait3A_139 : memref<128x160xbf16, #tpu.memory_space<hbm>>) dst(%dma_wait3A_136 : memref<128x160xbf16, #tpu.memory_space<vmem>>)
      %dma_start3A_140 = arith.constant 0 : i32
      %dma_start3A_141 = arith.constant 0 : i32
      %dma_start3A_142 = tpu.memref_slice %arg7[%rem3A_121, %dma_start3A_140, %dma_start3A_141] : memref<4x128x160xbf16, #tpu.memory_space<vmem>> -> memref<1x128x160xbf16, #tpu.memory_space<vmem>>
      %dma_start3A_143 = tpu.memref_squeeze %dma_start3A_142 : memref<1x128x160xbf16, #tpu.memory_space<vmem>> -> memref<128x160xbf16, #tpu.memory_space<vmem>>
      %dma_start3A_144 = arith.constant 0 : i32
      %dma_start3A_145 = tpu.memref_slice %arg6[%while3A_119, %dma_start3A_144] : memref<79x128xi32, #tpu.memory_space<vmem>> -> memref<1x128xi32, #tpu.memory_space<vmem>>
      %dma_start3A_146 = tpu.memref_squeeze %dma_start3A_145 : memref<1x128xi32, #tpu.memory_space<vmem>> -> memref<128xi32, #tpu.memory_space<vmem>>
      %dma_start3A_147 = arith.constant 0 : i32
      %dma_start3A_148 = arith.constant 0 : i32
      %dma_start3A_149 = tpu.memref_slice %arg8[%dma_start3A_147, %dma_start3A_148] : memref<10112x160xbf16, #tpu.memory_space<vmem_shared>> -> memref<10112x160xbf16, #tpu.memory_space<vmem_shared>>
      tpu.enqueue_indirect_dma source(%dma_start3A_143 : memref<128x160xbf16, #tpu.memory_space<vmem>>) target(%dma_start3A_149 : memref<10112x160xbf16, #tpu.memory_space<vmem_shared>>) offsets(%dma_start3A_146 : memref<128xi32, #tpu.memory_space<vmem>>) semaphore(%arg10 : memref<!tpu.dma_semaphore, #tpu.memory_space<semaphore_mem>>) {add = true}
      %ge3A_150 = arith.constant 2 : i32
      %ge3A_151 = arith.cmpi sge, %while3A_119, %ge3A_150 : i32
      %convert_element_type3A = arith.extui %ge3A_151 : i1 to i32
      %cond3A = arith.constant 0 : i32
      %cond3A_152 = arith.cmpi ne, %convert_element_type3A, %cond3A : i32
      scf.if %cond3A_152 {
        %dma_wait3A_158 = arith.constant 0 : i32
        %dma_wait3A_159 = arith.constant 0 : i32
        %dma_wait3A_160 = tpu.memref_slice %arg7[%rem3A_125, %dma_wait3A_158, %dma_wait3A_159] : memref<4x128x160xbf16, #tpu.memory_space<vmem>> -> memref<1x128x160xbf16, #tpu.memory_space<vmem>>
        %dma_wait3A_161 = tpu.memref_squeeze %dma_wait3A_160 : memref<1x128x160xbf16, #tpu.memory_space<vmem>> -> memref<128x160xbf16, #tpu.memory_space<vmem>>
        %dma_wait3A_162 = arith.constant 0 : i32
        %dma_wait3A_163 = arith.constant 0 : i32
        %dma_wait3A_164 = tpu.memref_slice %arg8[%dma_wait3A_162, %dma_wait3A_163] : memref<10112x160xbf16, #tpu.memory_space<vmem_shared>> -> memref<128x160xbf16, #tpu.memory_space<vmem_shared>>
        %dma_wait3A_165 = arith.constant 0 : i32
        %dma_wait3A_166 = arith.constant 0 : i32
        %dma_wait3A_167 = tpu.memref_slice %arg8[%dma_wait3A_165, %dma_wait3A_166] : memref<10112x160xbf16, #tpu.memory_space<vmem_shared>> -> memref<128x160xbf16, #tpu.memory_space<vmem_shared>>
        %dma_wait3A_168 = arith.constant 0 : i32
        %dma_wait3A_169 = arith.constant 0 : i32
        %dma_wait3A_170 = tpu.memref_slice %arg7[%rem3A_125, %dma_wait3A_168, %dma_wait3A_169] : memref<4x128x160xbf16, #tpu.memory_space<vmem>> -> memref<1x128x160xbf16, #tpu.memory_space<vmem>>
        %dma_wait3A_171 = tpu.memref_squeeze %dma_wait3A_170 : memref<1x128x160xbf16, #tpu.memory_space<vmem>> -> memref<128x160xbf16, #tpu.memory_space<vmem>>
        tpu.wait_dma2 semaphore(%arg10 : memref<!tpu.dma_semaphore, #tpu.memory_space<semaphore_mem>>) src(%dma_wait3A_171 : memref<128x160xbf16, #tpu.memory_space<vmem>>) dst(%dma_wait3A_167 : memref<128x160xbf16, #tpu.memory_space<vmem_shared>>)
      } else {
      }
      %add3A_153 = arith.constant 2 : i32
      %add3A_154 = arith.addi %while3A_119, %add3A_153 : i32
      %lt3A = arith.cmpi slt, %add3A_154, %select_n3A : i32
      %convert_element_type3A_155 = arith.extui %lt3A : i1 to i32
      %cond3A_156 = arith.constant 0 : i32
      %cond3A_157 = arith.cmpi ne, %convert_element_type3A_155, %cond3A_156 : i32
      scf.if %cond3A_157 {
        %add3A_158 = arith.constant 2 : i32
        %add3A_159 = arith.addi %while3A_119, %add3A_158 : i32
        %dma_start3A_160 = arith.constant 0 : i32
        %dma_start3A_161 = arith.constant 0 : i32
        %dma_start3A_162 = tpu.memref_slice %arg7[%rem3A_125, %dma_start3A_160, %dma_start3A_161] : memref<4x128x160xbf16, #tpu.memory_space<vmem>> -> memref<1x128x160xbf16, #tpu.memory_space<vmem>>
        %dma_start3A_163 = tpu.memref_squeeze %dma_start3A_162 : memref<1x128x160xbf16, #tpu.memory_space<vmem>> -> memref<128x160xbf16, #tpu.memory_space<vmem>>
        %dma_start3A_164 = arith.constant 0 : i32
        %dma_start3A_165 = tpu.memref_slice %arg5[%add3A_159, %dma_start3A_164] : memref<79x128xi32, #tpu.memory_space<vmem>> -> memref<1x128xi32, #tpu.memory_space<vmem>>
        %dma_start3A_166 = tpu.memref_squeeze %dma_start3A_165 : memref<1x128xi32, #tpu.memory_space<vmem>> -> memref<128xi32, #tpu.memory_space<vmem>>
        %dma_start3A_167 = arith.constant 0 : i32
        %dma_start3A_168 = arith.constant 0 : i32
        %dma_start3A_169 = tpu.memref_slice %arg2[%dma_start3A_167, %dma_start3A_168] : memref<10000x160xbf16, #tpu.memory_space<hbm>> -> memref<10000x160xbf16, #tpu.memory_space<hbm>>
        tpu.enqueue_indirect_dma source(%dma_start3A_169 : memref<10000x160xbf16, #tpu.memory_space<hbm>>) target(%dma_start3A_163 : memref<128x160xbf16, #tpu.memory_space<vmem>>) offsets(%dma_start3A_166 : memref<128xi32, #tpu.memory_space<vmem>>) semaphore(%arg9 : memref<!tpu.dma_semaphore, #tpu.memory_space<semaphore_mem>>)
      } else {
      }
    }
    %while3A_63 = arith.constant 1 : i32
    scf.for %while3A_119 = %while3A_61 to %while3A_57 step %while3A_63  : i32 {
      %rem3A_120 = arith.constant 4 : i32
      %rem3A_121 = arith.remsi %while3A_119, %rem3A_120 : i32
      %add3A_122 = arith.constant 2 : i32
      %add3A_123 = arith.addi %while3A_119, %add3A_122 : i32
      %rem3A_124 = arith.constant 4 : i32
      %rem3A_125 = arith.remsi %add3A_123, %rem3A_124 : i32
      %dma_wait3A_126 = arith.constant 0 : i32
      %dma_wait3A_127 = arith.constant 0 : i32
      %dma_wait3A_128 = tpu.memref_slice %arg7[%rem3A_121, %dma_wait3A_126, %dma_wait3A_127] : memref<4x128x160xbf16, #tpu.memory_space<vmem>> -> memref<1x128x160xbf16, #tpu.memory_space<vmem>>
      %dma_wait3A_129 = tpu.memref_squeeze %dma_wait3A_128 : memref<1x128x160xbf16, #tpu.memory_space<vmem>> -> memref<128x160xbf16, #tpu.memory_space<vmem>>
      %dma_wait3A_130 = arith.constant 0 : i32
      %dma_wait3A_131 = arith.constant 0 : i32
      %dma_wait3A_132 = tpu.memref_slice %arg2[%dma_wait3A_130, %dma_wait3A_131] : memref<10000x160xbf16, #tpu.memory_space<hbm>> -> memref<128x160xbf16, #tpu.memory_space<hbm>>
      %dma_wait3A_133 = arith.constant 0 : i32
      %dma_wait3A_134 = arith.constant 0 : i32
      %dma_wait3A_135 = tpu.memref_slice %arg7[%rem3A_121, %dma_wait3A_133, %dma_wait3A_134] : memref<4x128x160xbf16, #tpu.memory_space<vmem>> -> memref<1x128x160xbf16, #tpu.memory_space<vmem>>
      %dma_wait3A_136 = tpu.memref_squeeze %dma_wait3A_135 : memref<1x128x160xbf16, #tpu.memory_space<vmem>> -> memref<128x160xbf16, #tpu.memory_space<vmem>>
      %dma_wait3A_137 = arith.constant 0 : i32
      %dma_wait3A_138 = arith.constant 0 : i32
      %dma_wait3A_139 = tpu.memref_slice %arg2[%dma_wait3A_137, %dma_wait3A_138] : memref<10000x160xbf16, #tpu.memory_space<hbm>> -> memref<128x160xbf16, #tpu.memory_space<hbm>>
      tpu.wait_dma2 semaphore(%arg9 : memref<!tpu.dma_semaphore, #tpu.memory_space<semaphore_mem>>) src(%dma_wait3A_139 : memref<128x160xbf16, #tpu.memory_space<hbm>>) dst(%dma_wait3A_136 : memref<128x160xbf16, #tpu.memory_space<vmem>>)
      %dma_start3A_140 = arith.constant 0 : i32
      %dma_start3A_141 = arith.constant 0 : i32
      %dma_start3A_142 = tpu.memref_slice %arg7[%rem3A_121, %dma_start3A_140, %dma_start3A_141] : memref<4x128x160xbf16, #tpu.memory_space<vmem>> -> memref<1x128x160xbf16, #tpu.memory_space<vmem>>
      %dma_start3A_143 = tpu.memref_squeeze %dma_start3A_142 : memref<1x128x160xbf16, #tpu.memory_space<vmem>> -> memref<128x160xbf16, #tpu.memory_space<vmem>>
      %dma_start3A_144 = arith.constant 0 : i32
      %dma_start3A_145 = tpu.memref_slice %arg6[%while3A_119, %dma_start3A_144] : memref<79x128xi32, #tpu.memory_space<vmem>> -> memref<1x128xi32, #tpu.memory_space<vmem>>
      %dma_start3A_146 = tpu.memref_squeeze %dma_start3A_145 : memref<1x128xi32, #tpu.memory_space<vmem>> -> memref<128xi32, #tpu.memory_space<vmem>>
      %dma_start3A_147 = arith.constant 0 : i32
      %dma_start3A_148 = arith.constant 0 : i32
      %dma_start3A_149 = tpu.memref_slice %arg8[%dma_start3A_147, %dma_start3A_148] : memref<10112x160xbf16, #tpu.memory_space<vmem_shared>> -> memref<10112x160xbf16, #tpu.memory_space<vmem_shared>>
      tpu.enqueue_indirect_dma source(%dma_start3A_143 : memref<128x160xbf16, #tpu.memory_space<vmem>>) target(%dma_start3A_149 : memref<10112x160xbf16, #tpu.memory_space<vmem_shared>>) offsets(%dma_start3A_146 : memref<128xi32, #tpu.memory_space<vmem>>) semaphore(%arg10 : memref<!tpu.dma_semaphore, #tpu.memory_space<semaphore_mem>>) {add = true}
      %ge3A_150 = arith.constant 2 : i32
      %ge3A_151 = arith.cmpi sge, %while3A_119, %ge3A_150 : i32
      %convert_element_type3A = arith.extui %ge3A_151 : i1 to i32
      %cond3A = arith.constant 0 : i32
      %cond3A_152 = arith.cmpi ne, %convert_element_type3A, %cond3A : i32
      scf.if %cond3A_152 {
        %dma_wait3A_158 = arith.constant 0 : i32
        %dma_wait3A_159 = arith.constant 0 : i32
        %dma_wait3A_160 = tpu.memref_slice %arg7[%rem3A_125, %dma_wait3A_158, %dma_wait3A_159] : memref<4x128x160xbf16, #tpu.memory_space<vmem>> -> memref<1x128x160xbf16, #tpu.memory_space<vmem>>
        %dma_wait3A_161 = tpu.memref_squeeze %dma_wait3A_160 : memref<1x128x160xbf16, #tpu.memory_space<vmem>> -> memref<128x160xbf16, #tpu.memory_space<vmem>>
        %dma_wait3A_162 = arith.constant 0 : i32
        %dma_wait3A_163 = arith.constant 0 : i32
        %dma_wait3A_164 = tpu.memref_slice %arg8[%dma_wait3A_162, %dma_wait3A_163] : memref<10112x160xbf16, #tpu.memory_space<vmem_shared>> -> memref<128x160xbf16, #tpu.memory_space<vmem_shared>>
        %dma_wait3A_165 = arith.constant 0 : i32
        %dma_wait3A_166 = arith.constant 0 : i32
        %dma_wait3A_167 = tpu.memref_slice %arg8[%dma_wait3A_165, %dma_wait3A_166] : memref<10112x160xbf16, #tpu.memory_space<vmem_shared>> -> memref<128x160xbf16, #tpu.memory_space<vmem_shared>>
        %dma_wait3A_168 = arith.constant 0 : i32
        %dma_wait3A_169 = arith.constant 0 : i32
        %dma_wait3A_170 = tpu.memref_slice %arg7[%rem3A_125, %dma_wait3A_168, %dma_wait3A_169] : memref<4x128x160xbf16, #tpu.memory_space<vmem>> -> memref<1x128x160xbf16, #tpu.memory_space<vmem>>
        %dma_wait3A_171 = tpu.memref_squeeze %dma_wait3A_170 : memref<1x128x160xbf16, #tpu.memory_space<vmem>> -> memref<128x160xbf16, #tpu.memory_space<vmem>>
        tpu.wait_dma2 semaphore(%arg10 : memref<!tpu.dma_semaphore, #tpu.memory_space<semaphore_mem>>) src(%dma_wait3A_171 : memref<128x160xbf16, #tpu.memory_space<vmem>>) dst(%dma_wait3A_167 : memref<128x160xbf16, #tpu.memory_space<vmem_shared>>)
      } else {
      }
      %add3A_153 = arith.constant 2 : i32
      %add3A_154 = arith.addi %while3A_119, %add3A_153 : i32
      %lt3A = arith.cmpi slt, %add3A_154, %select_n3A : i32
      %convert_element_type3A_155 = arith.extui %lt3A : i1 to i32
      %cond3A_156 = arith.constant 0 : i32
      %cond3A_157 = arith.cmpi ne, %convert_element_type3A_155, %cond3A_156 : i32
      scf.if %cond3A_157 {
        %add3A_158 = arith.constant 2 : i32
        %add3A_159 = arith.addi %while3A_119, %add3A_158 : i32
        %dma_start3A_160 = arith.constant 0 : i32
        %dma_start3A_161 = arith.constant 0 : i32
        %dma_start3A_162 = tpu.memref_slice %arg7[%rem3A_125, %dma_start3A_160, %dma_start3A_161] : memref<4x128x160xbf16, #tpu.memory_space<vmem>> -> memref<1x128x160xbf16, #tpu.memory_space<vmem>>
        %dma_start3A_163 = tpu.memref_squeeze %dma_start3A_162 : memref<1x128x160xbf16, #tpu.memory_space<vmem>> -> memref<128x160xbf16, #tpu.memory_space<vmem>>
        %dma_start3A_164 = arith.constant 0 : i32
        %dma_start3A_165 = tpu.memref_slice %arg5[%add3A_159, %dma_start3A_164] : memref<79x128xi32, #tpu.memory_space<vmem>> -> memref<1x128xi32, #tpu.memory_space<vmem>>
        %dma_start3A_166 = tpu.memref_squeeze %dma_start3A_165 : memref<1x128xi32, #tpu.memory_space<vmem>> -> memref<128xi32, #tpu.memory_space<vmem>>
        %dma_start3A_167 = arith.constant 0 : i32
        %dma_start3A_168 = arith.constant 0 : i32
        %dma_start3A_169 = tpu.memref_slice %arg2[%dma_start3A_167, %dma_start3A_168] : memref<10000x160xbf16, #tpu.memory_space<hbm>> -> memref<10000x160xbf16, #tpu.memory_space<hbm>>
        tpu.enqueue_indirect_dma source(%dma_start3A_169 : memref<10000x160xbf16, #tpu.memory_space<hbm>>) target(%dma_start3A_163 : memref<128x160xbf16, #tpu.memory_space<vmem>>) offsets(%dma_start3A_166 : memref<128xi32, #tpu.memory_space<vmem>>) semaphore(%arg9 : memref<!tpu.dma_semaphore, #tpu.memory_space<semaphore_mem>>)
      } else {
      }
    }
    %sub3A_64 = arith.constant 2 : i32
    %sub3A_65 = arith.subi %select_n3A, %sub3A_64 : i32
    %rem3A = arith.constant 4 : i32
    %rem3A_66 = arith.remsi %sub3A_65, %rem3A : i32
    %dma_wait3A = arith.constant 0 : i32
    %dma_wait3A_67 = arith.constant 0 : i32
    %dma_wait3A_68 = tpu.memref_slice %arg7[%rem3A_66, %dma_wait3A, %dma_wait3A_67] : memref<4x128x160xbf16, #tpu.memory_space<vmem>> -> memref<1x128x160xbf16, #tpu.memory_space<vmem>>
    %dma_wait3A_69 = tpu.memref_squeeze %dma_wait3A_68 : memref<1x128x160xbf16, #tpu.memory_space<vmem>> -> memref<128x160xbf16, #tpu.memory_space<vmem>>
    %dma_wait3A_70 = arith.constant 0 : i32
    %dma_wait3A_71 = arith.constant 0 : i32
    %dma_wait3A_72 = tpu.memref_slice %arg8[%dma_wait3A_70, %dma_wait3A_71] : memref<10112x160xbf16, #tpu.memory_space<vmem_shared>> -> memref<128x160xbf16, #tpu.memory_space<vmem_shared>>
    %dma_wait3A_73 = arith.constant 0 : i32
    %dma_wait3A_74 = arith.constant 0 : i32
    %dma_wait3A_75 = tpu.memref_slice %arg8[%dma_wait3A_73, %dma_wait3A_74] : memref<10112x160xbf16, #tpu.memory_space<vmem_shared>> -> memref<128x160xbf16, #tpu.memory_space<vmem_shared>>
    %dma_wait3A_76 = arith.constant 0 : i32
    %dma_wait3A_77 = arith.constant 0 : i32
    %dma_wait3A_78 = tpu.memref_slice %arg7[%rem3A_66, %dma_wait3A_76, %dma_wait3A_77] : memref<4x128x160xbf16, #tpu.memory_space<vmem>> -> memref<1x128x160xbf16, #tpu.memory_space<vmem>>
    %dma_wait3A_79 = tpu.memref_squeeze %dma_wait3A_78 : memref<1x128x160xbf16, #tpu.memory_space<vmem>> -> memref<128x160xbf16, #tpu.memory_space<vmem>>
    tpu.wait_dma2 semaphore(%arg10 : memref<!tpu.dma_semaphore, #tpu.memory_space<semaphore_mem>>) src(%dma_wait3A_79 : memref<128x160xbf16, #tpu.memory_space<vmem>>) dst(%dma_wait3A_75 : memref<128x160xbf16, #tpu.memory_space<vmem_shared>>)
    %sub3A_80 = arith.constant 1 : i32
    %sub3A_81 = arith.subi %select_n3A, %sub3A_80 : i32
    %rem3A_82 = arith.constant 4 : i32
    %rem3A_83 = arith.remsi %sub3A_81, %rem3A_82 : i32
    %dma_wait3A_84 = arith.constant 0 : i32
    %dma_wait3A_85 = arith.constant 0 : i32
    %dma_wait3A_86 = tpu.memref_slice %arg7[%rem3A_83, %dma_wait3A_84, %dma_wait3A_85] : memref<4x128x160xbf16, #tpu.memory_space<vmem>> -> memref<1x128x160xbf16, #tpu.memory_space<vmem>>
    %dma_wait3A_87 = tpu.memref_squeeze %dma_wait3A_86 : memref<1x128x160xbf16, #tpu.memory_space<vmem>> -> memref<128x160xbf16, #tpu.memory_space<vmem>>
    %dma_wait3A_88 = arith.constant 0 : i32
    %dma_wait3A_89 = arith.constant 0 : i32
    %dma_wait3A_90 = tpu.memref_slice %arg8[%dma_wait3A_88, %dma_wait3A_89] : memref<10112x160xbf16, #tpu.memory_space<vmem_shared>> -> memref<128x160xbf16, #tpu.memory_space<vmem_shared>>
    %dma_wait3A_91 = arith.constant 0 : i32
    %dma_wait3A_92 = arith.constant 0 : i32
    %dma_wait3A_93 = tpu.memref_slice %arg8[%dma_wait3A_91, %dma_wait3A_92] : memref<10112x160xbf16, #tpu.memory_space<vmem_shared>> -> memref<128x160xbf16, #tpu.memory_space<vmem_shared>>
    %dma_wait3A_94 = arith.constant 0 : i32
    %dma_wait3A_95 = arith.constant 0 : i32
    %dma_wait3A_96 = tpu.memref_slice %arg7[%rem3A_83, %dma_wait3A_94, %dma_wait3A_95] : memref<4x128x160xbf16, #tpu.memory_space<vmem>> -> memref<1x128x160xbf16, #tpu.memory_space<vmem>>
    %dma_wait3A_97 = tpu.memref_squeeze %dma_wait3A_96 : memref<1x128x160xbf16, #tpu.memory_space<vmem>> -> memref<128x160xbf16, #tpu.memory_space<vmem>>
    tpu.wait_dma2 semaphore(%arg10 : memref<!tpu.dma_semaphore, #tpu.memory_space<semaphore_mem>>) src(%dma_wait3A_97 : memref<128x160xbf16, #tpu.memory_space<vmem>>) dst(%dma_wait3A_93 : memref<128x160xbf16, #tpu.memory_space<vmem_shared>>)
    %barrier3A_98 = arith.constant 0 : index
    tpu.barrier barrier_id(%barrier3A_98)
    %add3A_99 = arith.constant 0 : i32
    %add3A_100 = arith.addi %mul3A_8, %add3A_99 : i32
    %run_scoped3A_101 = arith.constant 0 : i32
    "tpu.region"() ({
      %run_scoped3A_119 = tpu.sem_alloc : memref<!tpu.dma_semaphore, #tpu.memory_space<semaphore_mem>>
      %dma_start3A_120 = arith.constant 0 : i32
      %dma_start3A_121 = arith.constant 0 : i32
      %dma_start3A_122 = tpu.memref_slice %arg7[%run_scoped3A_101, %dma_start3A_120, %dma_start3A_121] : memref<4x128x160xbf16, #tpu.memory_space<vmem>> -> memref<1x128x160xbf16, #tpu.memory_space<vmem>>
      %dma_start3A_123 = tpu.memref_squeeze %dma_start3A_122 : memref<1x128x160xbf16, #tpu.memory_space<vmem>> -> memref<128x160xbf16, #tpu.memory_space<vmem>>
      %dma_start3A_124 = arith.constant 0 : i32
      %dma_start3A_125 = tpu.memref_slice %arg8[%add3A_100, %dma_start3A_124] : memref<10112x160xbf16, #tpu.memory_space<vmem_shared>> -> memref<128x160xbf16, #tpu.memory_space<vmem_shared>>
      %dma_start3A_126 = arith.constant 0 : i32
      %dma_start3A_127 = arith.constant 0 : i32
      %dma_start3A_128 = tpu.memref_slice %arg7[%run_scoped3A_101, %dma_start3A_126, %dma_start3A_127] : memref<4x128x160xbf16, #tpu.memory_space<vmem>> -> memref<1x128x160xbf16, #tpu.memory_space<vmem>>
      %dma_start3A_129 = tpu.memref_squeeze %dma_start3A_128 : memref<1x128x160xbf16, #tpu.memory_space<vmem>> -> memref<128x160xbf16, #tpu.memory_space<vmem>>
      %dma_start3A_130 = arith.constant 0 : i32
      %dma_start3A_131 = tpu.memref_slice %arg8[%add3A_100, %dma_start3A_130] : memref<10112x160xbf16, #tpu.memory_space<vmem_shared>> -> memref<128x160xbf16, #tpu.memory_space<vmem_shared>>
      tpu.enqueue_dma source(%dma_start3A_131 : memref<128x160xbf16, #tpu.memory_space<vmem_shared>>) target(%dma_start3A_129 : memref<128x160xbf16, #tpu.memory_space<vmem>>) target_semaphore(%run_scoped3A_119 : memref<!tpu.dma_semaphore, #tpu.memory_space<semaphore_mem>>)
      %dma_wait3A_132 = arith.constant 0 : i32
      %dma_wait3A_133 = arith.constant 0 : i32
      %dma_wait3A_134 = tpu.memref_slice %arg7[%run_scoped3A_101, %dma_wait3A_132, %dma_wait3A_133] : memref<4x128x160xbf16, #tpu.memory_space<vmem>> -> memref<1x128x160xbf16, #tpu.memory_space<vmem>>
      %dma_wait3A_135 = tpu.memref_squeeze %dma_wait3A_134 : memref<1x128x160xbf16, #tpu.memory_space<vmem>> -> memref<128x160xbf16, #tpu.memory_space<vmem>>
      %dma_wait3A_136 = arith.constant 0 : i32
      %dma_wait3A_137 = tpu.memref_slice %arg8[%add3A_100, %dma_wait3A_136] : memref<10112x160xbf16, #tpu.memory_space<vmem_shared>> -> memref<128x160xbf16, #tpu.memory_space<vmem_shared>>
      %dma_wait3A_138 = arith.constant 0 : i32
      %dma_wait3A_139 = arith.constant 0 : i32
      %dma_wait3A_140 = tpu.memref_slice %arg7[%run_scoped3A_101, %dma_wait3A_138, %dma_wait3A_139] : memref<4x128x160xbf16, #tpu.memory_space<vmem>> -> memref<1x128x160xbf16, #tpu.memory_space<vmem>>
      %dma_wait3A_141 = tpu.memref_squeeze %dma_wait3A_140 : memref<1x128x160xbf16, #tpu.memory_space<vmem>> -> memref<128x160xbf16, #tpu.memory_space<vmem>>
      %dma_wait3A_142 = arith.constant 0 : i32
      %dma_wait3A_143 = tpu.memref_slice %arg8[%add3A_100, %dma_wait3A_142] : memref<10112x160xbf16, #tpu.memory_space<vmem_shared>> -> memref<128x160xbf16, #tpu.memory_space<vmem_shared>>
      tpu.wait_dma2 semaphore(%run_scoped3A_119 : memref<!tpu.dma_semaphore, #tpu.memory_space<semaphore_mem>>) src(%dma_wait3A_143 : memref<128x160xbf16, #tpu.memory_space<vmem_shared>>) dst(%dma_wait3A_141 : memref<128x160xbf16, #tpu.memory_space<vmem>>)
      tpu.yield
    }) : () -> ()
    %run_scoped3A_102 = arith.constant 0 : i32
    "tpu.region"() ({
      %run_scoped3A_119 = tpu.sem_alloc : memref<!tpu.dma_semaphore, #tpu.memory_space<semaphore_mem>>
      %dma_start3A_120 = arith.constant 0 : i32
      %dma_start3A_121 = arith.constant 0 : i32
      %dma_start3A_122 = tpu.memref_slice %arg7[%run_scoped3A_102, %dma_start3A_120, %dma_start3A_121] : memref<4x128x160xbf16, #tpu.memory_space<vmem>> -> memref<1x128x160xbf16, #tpu.memory_space<vmem>>
      %dma_start3A_123 = tpu.memref_squeeze %dma_start3A_122 : memref<1x128x160xbf16, #tpu.memory_space<vmem>> -> memref<128x160xbf16, #tpu.memory_space<vmem>>
      %dma_start3A_124 = arith.constant 0 : i32
      %dma_start3A_125 = tpu.memref_slice %arg4[%arg0, %add3A_100, %dma_start3A_124] : memref<2x10112x160xbf16, #tpu.memory_space<hbm>> -> memref<1x128x160xbf16, #tpu.memory_space<hbm>>
      %dma_start3A_126 = tpu.memref_squeeze %dma_start3A_125 : memref<1x128x160xbf16, #tpu.memory_space<hbm>> -> memref<128x160xbf16, #tpu.memory_space<hbm>>
      %dma_start3A_127 = arith.constant 0 : i32
      %dma_start3A_128 = tpu.memref_slice %arg4[%arg0, %add3A_100, %dma_start3A_127] : memref<2x10112x160xbf16, #tpu.memory_space<hbm>> -> memref<1x128x160xbf16, #tpu.memory_space<hbm>>
      %dma_start3A_129 = tpu.memref_squeeze %dma_start3A_128 : memref<1x128x160xbf16, #tpu.memory_space<hbm>> -> memref<128x160xbf16, #tpu.memory_space<hbm>>
      %dma_start3A_130 = arith.constant 0 : i32
      %dma_start3A_131 = arith.constant 0 : i32
      %dma_start3A_132 = tpu.memref_slice %arg7[%run_scoped3A_102, %dma_start3A_130, %dma_start3A_131] : memref<4x128x160xbf16, #tpu.memory_space<vmem>> -> memref<1x128x160xbf16, #tpu.memory_space<vmem>>
      %dma_start3A_133 = tpu.memref_squeeze %dma_start3A_132 : memref<1x128x160xbf16, #tpu.memory_space<vmem>> -> memref<128x160xbf16, #tpu.memory_space<vmem>>
      tpu.enqueue_dma source(%dma_start3A_133 : memref<128x160xbf16, #tpu.memory_space<vmem>>) target(%dma_start3A_129 : memref<128x160xbf16, #tpu.memory_space<hbm>>) target_semaphore(%run_scoped3A_119 : memref<!tpu.dma_semaphore, #tpu.memory_space<semaphore_mem>>)
      %dma_wait3A_134 = arith.constant 0 : i32
      %dma_wait3A_135 = arith.constant 0 : i32
      %dma_wait3A_136 = tpu.memref_slice %arg7[%run_scoped3A_102, %dma_wait3A_134, %dma_wait3A_135] : memref<4x128x160xbf16, #tpu.memory_space<vmem>> -> memref<1x128x160xbf16, #tpu.memory_space<vmem>>
      %dma_wait3A_137 = tpu.memref_squeeze %dma_wait3A_136 : memref<1x128x160xbf16, #tpu.memory_space<vmem>> -> memref<128x160xbf16, #tpu.memory_space<vmem>>
      %dma_wait3A_138 = arith.constant 0 : i32
      %dma_wait3A_139 = tpu.memref_slice %arg4[%arg0, %add3A_100, %dma_wait3A_138] : memref<2x10112x160xbf16, #tpu.memory_space<hbm>> -> memref<1x128x160xbf16, #tpu.memory_space<hbm>>
      %dma_wait3A_140 = tpu.memref_squeeze %dma_wait3A_139 : memref<1x128x160xbf16, #tpu.memory_space<hbm>> -> memref<128x160xbf16, #tpu.memory_space<hbm>>
      %dma_wait3A_141 = arith.constant 0 : i32
      %dma_wait3A_142 = tpu.memref_slice %arg4[%arg0, %add3A_100, %dma_wait3A_141] : memref<2x10112x160xbf16, #tpu.memory_space<hbm>> -> memref<1x128x160xbf16, #tpu.memory_space<hbm>>
      %dma_wait3A_143 = tpu.memref_squeeze %dma_wait3A_142 : memref<1x128x160xbf16, #tpu.memory_space<hbm>> -> memref<128x160xbf16, #tpu.memory_space<hbm>>
      %dma_wait3A_144 = arith.constant 0 : i32
      %dma_wait3A_145 = arith.constant 0 : i32
      %dma_wait3A_146 = tpu.memref_slice %arg7[%run_scoped3A_102, %dma_wait3A_144, %dma_wait3A_145] : memref<4x128x160xbf16, #tpu.memory_space<vmem>> -> memref<1x128x160xbf16, #tpu.memory_space<vmem>>
      %dma_wait3A_147 = tpu.memref_squeeze %dma_wait3A_146 : memref<1x128x160xbf16, #tpu.memory_space<vmem>> -> memref<128x160xbf16, #tpu.memory_space<vmem>>
      tpu.wait_dma2 semaphore(%run_scoped3A_119 : memref<!tpu.dma_semaphore, #tpu.memory_space<semaphore_mem>>) src(%dma_wait3A_147 : memref<128x160xbf16, #tpu.memory_space<vmem>>) dst(%dma_wait3A_143 : memref<128x160xbf16, #tpu.memory_space<hbm>>)
      tpu.yield
    }) : () -> ()
    %add3A_103 = arith.constant 128 : i32
    %add3A_104 = arith.addi %mul3A_8, %add3A_103 : i32
    %run_scoped3A_105 = arith.constant 0 : i32
    "tpu.region"() ({
      %run_scoped3A_119 = tpu.sem_alloc : memref<!tpu.dma_semaphore, #tpu.memory_space<semaphore_mem>>
      %dma_start3A_120 = arith.constant 0 : i32
      %dma_start3A_121 = arith.constant 0 : i32
      %dma_start3A_122 = tpu.memref_slice %arg7[%run_scoped3A_105, %dma_start3A_120, %dma_start3A_121] : memref<4x128x160xbf16, #tpu.memory_space<vmem>> -> memref<1x128x160xbf16, #tpu.memory_space<vmem>>
      %dma_start3A_123 = tpu.memref_squeeze %dma_start3A_122 : memref<1x128x160xbf16, #tpu.memory_space<vmem>> -> memref<128x160xbf16, #tpu.memory_space<vmem>>
      %dma_start3A_124 = arith.constant 0 : i32
      %dma_start3A_125 = tpu.memref_slice %arg8[%add3A_104, %dma_start3A_124] : memref<10112x160xbf16, #tpu.memory_space<vmem_shared>> -> memref<128x160xbf16, #tpu.memory_space<vmem_shared>>
      %dma_start3A_126 = arith.constant 0 : i32
      %dma_start3A_127 = arith.constant 0 : i32
      %dma_start3A_128 = tpu.memref_slice %arg7[%run_scoped3A_105, %dma_start3A_126, %dma_start3A_127] : memref<4x128x160xbf16, #tpu.memory_space<vmem>> -> memref<1x128x160xbf16, #tpu.memory_space<vmem>>
      %dma_start3A_129 = tpu.memref_squeeze %dma_start3A_128 : memref<1x128x160xbf16, #tpu.memory_space<vmem>> -> memref<128x160xbf16, #tpu.memory_space<vmem>>
      %dma_start3A_130 = arith.constant 0 : i32
      %dma_start3A_131 = tpu.memref_slice %arg8[%add3A_104, %dma_start3A_130] : memref<10112x160xbf16, #tpu.memory_space<vmem_shared>> -> memref<128x160xbf16, #tpu.memory_space<vmem_shared>>
      tpu.enqueue_dma source(%dma_start3A_131 : memref<128x160xbf16, #tpu.memory_space<vmem_shared>>) target(%dma_start3A_129 : memref<128x160xbf16, #tpu.memory_space<vmem>>) target_semaphore(%run_scoped3A_119 : memref<!tpu.dma_semaphore, #tpu.memory_space<semaphore_mem>>)
      %dma_wait3A_132 = arith.constant 0 : i32
      %dma_wait3A_133 = arith.constant 0 : i32
      %dma_wait3A_134 = tpu.memref_slice %arg7[%run_scoped3A_105, %dma_wait3A_132, %dma_wait3A_133] : memref<4x128x160xbf16, #tpu.memory_space<vmem>> -> memref<1x128x160xbf16, #tpu.memory_space<vmem>>
      %dma_wait3A_135 = tpu.memref_squeeze %dma_wait3A_134 : memref<1x128x160xbf16, #tpu.memory_space<vmem>> -> memref<128x160xbf16, #tpu.memory_space<vmem>>
      %dma_wait3A_136 = arith.constant 0 : i32
      %dma_wait3A_137 = tpu.memref_slice %arg8[%add3A_104, %dma_wait3A_136] : memref<10112x160xbf16, #tpu.memory_space<vmem_shared>> -> memref<128x160xbf16, #tpu.memory_space<vmem_shared>>
      %dma_wait3A_138 = arith.constant 0 : i32
      %dma_wait3A_139 = arith.constant 0 : i32
      %dma_wait3A_140 = tpu.memref_slice %arg7[%run_scoped3A_105, %dma_wait3A_138, %dma_wait3A_139] : memref<4x128x160xbf16, #tpu.memory_space<vmem>> -> memref<1x128x160xbf16, #tpu.memory_space<vmem>>
      %dma_wait3A_141 = tpu.memref_squeeze %dma_wait3A_140 : memref<1x128x160xbf16, #tpu.memory_space<vmem>> -> memref<128x160xbf16, #tpu.memory_space<vmem>>
      %dma_wait3A_142 = arith.constant 0 : i32
      %dma_wait3A_143 = tpu.memref_slice %arg8[%add3A_104, %dma_wait3A_142] : memref<10112x160xbf16, #tpu.memory_space<vmem_shared>> -> memref<128x160xbf16, #tpu.memory_space<vmem_shared>>
      tpu.wait_dma2 semaphore(%run_scoped3A_119 : memref<!tpu.dma_semaphore, #tpu.memory_space<semaphore_mem>>) src(%dma_wait3A_143 : memref<128x160xbf16, #tpu.memory_space<vmem_shared>>) dst(%dma_wait3A_141 : memref<128x160xbf16, #tpu.memory_space<vmem>>)
      tpu.yield
    }) : () -> ()
    %run_scoped3A_106 = arith.constant 0 : i32
    "tpu.region"() ({
      %run_scoped3A_119 = tpu.sem_alloc : memref<!tpu.dma_semaphore, #tpu.memory_space<semaphore_mem>>
      %dma_start3A_120 = arith.constant 0 : i32
      %dma_start3A_121 = arith.constant 0 : i32
      %dma_start3A_122 = tpu.memref_slice %arg7[%run_scoped3A_106, %dma_start3A_120, %dma_start3A_121] : memref<4x128x160xbf16, #tpu.memory_space<vmem>> -> memref<1x128x160xbf16, #tpu.memory_space<vmem>>
      %dma_start3A_123 = tpu.memref_squeeze %dma_start3A_122 : memref<1x128x160xbf16, #tpu.memory_space<vmem>> -> memref<128x160xbf16, #tpu.memory_space<vmem>>
      %dma_start3A_124 = arith.constant 0 : i32
      %dma_start3A_125 = tpu.memref_slice %arg4[%arg0, %add3A_104, %dma_start3A_124] : memref<2x10112x160xbf16, #tpu.memory_space<hbm>> -> memref<1x128x160xbf16, #tpu.memory_space<hbm>>
      %dma_start3A_126 = tpu.memref_squeeze %dma_start3A_125 : memref<1x128x160xbf16, #tpu.memory_space<hbm>> -> memref<128x160xbf16, #tpu.memory_space<hbm>>
      %dma_start3A_127 = arith.constant 0 : i32
      %dma_start3A_128 = tpu.memref_slice %arg4[%arg0, %add3A_104, %dma_start3A_127] : memref<2x10112x160xbf16, #tpu.memory_space<hbm>> -> memref<1x128x160xbf16, #tpu.memory_space<hbm>>
      %dma_start3A_129 = tpu.memref_squeeze %dma_start3A_128 : memref<1x128x160xbf16, #tpu.memory_space<hbm>> -> memref<128x160xbf16, #tpu.memory_space<hbm>>
      %dma_start3A_130 = arith.constant 0 : i32
      %dma_start3A_131 = arith.constant 0 : i32
      %dma_start3A_132 = tpu.memref_slice %arg7[%run_scoped3A_106, %dma_start3A_130, %dma_start3A_131] : memref<4x128x160xbf16, #tpu.memory_space<vmem>> -> memref<1x128x160xbf16, #tpu.memory_space<vmem>>
      %dma_start3A_133 = tpu.memref_squeeze %dma_start3A_132 : memref<1x128x160xbf16, #tpu.memory_space<vmem>> -> memref<128x160xbf16, #tpu.memory_space<vmem>>
      tpu.enqueue_dma source(%dma_start3A_133 : memref<128x160xbf16, #tpu.memory_space<vmem>>) target(%dma_start3A_129 : memref<128x160xbf16, #tpu.memory_space<hbm>>) target_semaphore(%run_scoped3A_119 : memref<!tpu.dma_semaphore, #tpu.memory_space<semaphore_mem>>)
      %dma_wait3A_134 = arith.constant 0 : i32
      %dma_wait3A_135 = arith.constant 0 : i32
      %dma_wait3A_136 = tpu.memref_slice %arg7[%run_scoped3A_106, %dma_wait3A_134, %dma_wait3A_135] : memref<4x128x160xbf16, #tpu.memory_space<vmem>> -> memref<1x128x160xbf16, #tpu.memory_space<vmem>>
      %dma_wait3A_137 = tpu.memref_squeeze %dma_wait3A_136 : memref<1x128x160xbf16, #tpu.memory_space<vmem>> -> memref<128x160xbf16, #tpu.memory_space<vmem>>
      %dma_wait3A_138 = arith.constant 0 : i32
      %dma_wait3A_139 = tpu.memref_slice %arg4[%arg0, %add3A_104, %dma_wait3A_138] : memref<2x10112x160xbf16, #tpu.memory_space<hbm>> -> memref<1x128x160xbf16, #tpu.memory_space<hbm>>
      %dma_wait3A_140 = tpu.memref_squeeze %dma_wait3A_139 : memref<1x128x160xbf16, #tpu.memory_space<hbm>> -> memref<128x160xbf16, #tpu.memory_space<hbm>>
      %dma_wait3A_141 = arith.constant 0 : i32
      %dma_wait3A_142 = tpu.memref_slice %arg4[%arg0, %add3A_104, %dma_wait3A_141] : memref<2x10112x160xbf16, #tpu.memory_space<hbm>> -> memref<1x128x160xbf16, #tpu.memory_space<hbm>>
      %dma_wait3A_143 = tpu.memref_squeeze %dma_wait3A_142 : memref<1x128x160xbf16, #tpu.memory_space<hbm>> -> memref<128x160xbf16, #tpu.memory_space<hbm>>
      %dma_wait3A_144 = arith.constant 0 : i32
      %dma_wait3A_145 = arith.constant 0 : i32
      %dma_wait3A_146 = tpu.memref_slice %arg7[%run_scoped3A_106, %dma_wait3A_144, %dma_wait3A_145] : memref<4x128x160xbf16, #tpu.memory_space<vmem>> -> memref<1x128x160xbf16, #tpu.memory_space<vmem>>
      %dma_wait3A_147 = tpu.memref_squeeze %dma_wait3A_146 : memref<1x128x160xbf16, #tpu.memory_space<vmem>> -> memref<128x160xbf16, #tpu.memory_space<vmem>>
      tpu.wait_dma2 semaphore(%run_scoped3A_119 : memref<!tpu.dma_semaphore, #tpu.memory_space<semaphore_mem>>) src(%dma_wait3A_147 : memref<128x160xbf16, #tpu.memory_space<vmem>>) dst(%dma_wait3A_143 : memref<128x160xbf16, #tpu.memory_space<hbm>>)
      tpu.yield
    }) : () -> ()
    %add3A_107 = arith.constant 256 : i32
    %add3A_108 = arith.addi %mul3A_8, %add3A_107 : i32
    %run_scoped3A_109 = arith.constant 0 : i32
    "tpu.region"() ({
      %run_scoped3A_119 = tpu.sem_alloc : memref<!tpu.dma_semaphore, #tpu.memory_space<semaphore_mem>>
      %dma_start3A_120 = arith.constant 0 : i32
      %dma_start3A_121 = arith.constant 0 : i32
      %dma_start3A_122 = tpu.memref_slice %arg7[%run_scoped3A_109, %dma_start3A_120, %dma_start3A_121] : memref<4x128x160xbf16, #tpu.memory_space<vmem>> -> memref<1x128x160xbf16, #tpu.memory_space<vmem>>
      %dma_start3A_123 = tpu.memref_squeeze %dma_start3A_122 : memref<1x128x160xbf16, #tpu.memory_space<vmem>> -> memref<128x160xbf16, #tpu.memory_space<vmem>>
      %dma_start3A_124 = arith.constant 0 : i32
      %dma_start3A_125 = tpu.memref_slice %arg8[%add3A_108, %dma_start3A_124] : memref<10112x160xbf16, #tpu.memory_space<vmem_shared>> -> memref<128x160xbf16, #tpu.memory_space<vmem_shared>>
      %dma_start3A_126 = arith.constant 0 : i32
      %dma_start3A_127 = arith.constant 0 : i32
      %dma_start3A_128 = tpu.memref_slice %arg7[%run_scoped3A_109, %dma_start3A_126, %dma_start3A_127] : memref<4x128x160xbf16, #tpu.memory_space<vmem>> -> memref<1x128x160xbf16, #tpu.memory_space<vmem>>
      %dma_start3A_129 = tpu.memref_squeeze %dma_start3A_128 : memref<1x128x160xbf16, #tpu.memory_space<vmem>> -> memref<128x160xbf16, #tpu.memory_space<vmem>>
      %dma_start3A_130 = arith.constant 0 : i32
      %dma_start3A_131 = tpu.memref_slice %arg8[%add3A_108, %dma_start3A_130] : memref<10112x160xbf16, #tpu.memory_space<vmem_shared>> -> memref<128x160xbf16, #tpu.memory_space<vmem_shared>>
      tpu.enqueue_dma source(%dma_start3A_131 : memref<128x160xbf16, #tpu.memory_space<vmem_shared>>) target(%dma_start3A_129 : memref<128x160xbf16, #tpu.memory_space<vmem>>) target_semaphore(%run_scoped3A_119 : memref<!tpu.dma_semaphore, #tpu.memory_space<semaphore_mem>>)
      %dma_wait3A_132 = arith.constant 0 : i32
      %dma_wait3A_133 = arith.constant 0 : i32
      %dma_wait3A_134 = tpu.memref_slice %arg7[%run_scoped3A_109, %dma_wait3A_132, %dma_wait3A_133] : memref<4x128x160xbf16, #tpu.memory_space<vmem>> -> memref<1x128x160xbf16, #tpu.memory_space<vmem>>
      %dma_wait3A_135 = tpu.memref_squeeze %dma_wait3A_134 : memref<1x128x160xbf16, #tpu.memory_space<vmem>> -> memref<128x160xbf16, #tpu.memory_space<vmem>>
      %dma_wait3A_136 = arith.constant 0 : i32
      %dma_wait3A_137 = tpu.memref_slice %arg8[%add3A_108, %dma_wait3A_136] : memref<10112x160xbf16, #tpu.memory_space<vmem_shared>> -> memref<128x160xbf16, #tpu.memory_space<vmem_shared>>
      %dma_wait3A_138 = arith.constant 0 : i32
      %dma_wait3A_139 = arith.constant 0 : i32
      %dma_wait3A_140 = tpu.memref_slice %arg7[%run_scoped3A_109, %dma_wait3A_138, %dma_wait3A_139] : memref<4x128x160xbf16, #tpu.memory_space<vmem>> -> memref<1x128x160xbf16, #tpu.memory_space<vmem>>
      %dma_wait3A_141 = tpu.memref_squeeze %dma_wait3A_140 : memref<1x128x160xbf16, #tpu.memory_space<vmem>> -> memref<128x160xbf16, #tpu.memory_space<vmem>>
      %dma_wait3A_142 = arith.constant 0 : i32
      %dma_wait3A_143 = tpu.memref_slice %arg8[%add3A_108, %dma_wait3A_142] : memref<10112x160xbf16, #tpu.memory_space<vmem_shared>> -> memref<128x160xbf16, #tpu.memory_space<vmem_shared>>
      tpu.wait_dma2 semaphore(%run_scoped3A_119 : memref<!tpu.dma_semaphore, #tpu.memory_space<semaphore_mem>>) src(%dma_wait3A_143 : memref<128x160xbf16, #tpu.memory_space<vmem_shared>>) dst(%dma_wait3A_141 : memref<128x160xbf16, #tpu.memory_space<vmem>>)
      tpu.yield
    }) : () -> ()
    %run_scoped3A_110 = arith.constant 0 : i32
    "tpu.region"() ({
      %run_scoped3A_119 = tpu.sem_alloc : memref<!tpu.dma_semaphore, #tpu.memory_space<semaphore_mem>>
      %dma_start3A_120 = arith.constant 0 : i32
      %dma_start3A_121 = arith.constant 0 : i32
      %dma_start3A_122 = tpu.memref_slice %arg7[%run_scoped3A_110, %dma_start3A_120, %dma_start3A_121] : memref<4x128x160xbf16, #tpu.memory_space<vmem>> -> memref<1x128x160xbf16, #tpu.memory_space<vmem>>
      %dma_start3A_123 = tpu.memref_squeeze %dma_start3A_122 : memref<1x128x160xbf16, #tpu.memory_space<vmem>> -> memref<128x160xbf16, #tpu.memory_space<vmem>>
      %dma_start3A_124 = arith.constant 0 : i32
      %dma_start3A_125 = tpu.memref_slice %arg4[%arg0, %add3A_108, %dma_start3A_124] : memref<2x10112x160xbf16, #tpu.memory_space<hbm>> -> memref<1x128x160xbf16, #tpu.memory_space<hbm>>
      %dma_start3A_126 = tpu.memref_squeeze %dma_start3A_125 : memref<1x128x160xbf16, #tpu.memory_space<hbm>> -> memref<128x160xbf16, #tpu.memory_space<hbm>>
      %dma_start3A_127 = arith.constant 0 : i32
      %dma_start3A_128 = tpu.memref_slice %arg4[%arg0, %add3A_108, %dma_start3A_127] : memref<2x10112x160xbf16, #tpu.memory_space<hbm>> -> memref<1x128x160xbf16, #tpu.memory_space<hbm>>
      %dma_start3A_129 = tpu.memref_squeeze %dma_start3A_128 : memref<1x128x160xbf16, #tpu.memory_space<hbm>> -> memref<128x160xbf16, #tpu.memory_space<hbm>>
      %dma_start3A_130 = arith.constant 0 : i32
      %dma_start3A_131 = arith.constant 0 : i32
      %dma_start3A_132 = tpu.memref_slice %arg7[%run_scoped3A_110, %dma_start3A_130, %dma_start3A_131] : memref<4x128x160xbf16, #tpu.memory_space<vmem>> -> memref<1x128x160xbf16, #tpu.memory_space<vmem>>
      %dma_start3A_133 = tpu.memref_squeeze %dma_start3A_132 : memref<1x128x160xbf16, #tpu.memory_space<vmem>> -> memref<128x160xbf16, #tpu.memory_space<vmem>>
      tpu.enqueue_dma source(%dma_start3A_133 : memref<128x160xbf16, #tpu.memory_space<vmem>>) target(%dma_start3A_129 : memref<128x160xbf16, #tpu.memory_space<hbm>>) target_semaphore(%run_scoped3A_119 : memref<!tpu.dma_semaphore, #tpu.memory_space<semaphore_mem>>)
      %dma_wait3A_134 = arith.constant 0 : i32
      %dma_wait3A_135 = arith.constant 0 : i32
      %dma_wait3A_136 = tpu.memref_slice %arg7[%run_scoped3A_110, %dma_wait3A_134, %dma_wait3A_135] : memref<4x128x160xbf16, #tpu.memory_space<vmem>> -> memref<1x128x160xbf16, #tpu.memory_space<vmem>>
      %dma_wait3A_137 = tpu.memref_squeeze %dma_wait3A_136 : memref<1x128x160xbf16, #tpu.memory_space<vmem>> -> memref<128x160xbf16, #tpu.memory_space<vmem>>
      %dma_wait3A_138 = arith.constant 0 : i32
      %dma_wait3A_139 = tpu.memref_slice %arg4[%arg0, %add3A_108, %dma_wait3A_138] : memref<2x10112x160xbf16, #tpu.memory_space<hbm>> -> memref<1x128x160xbf16, #tpu.memory_space<hbm>>
      %dma_wait3A_140 = tpu.memref_squeeze %dma_wait3A_139 : memref<1x128x160xbf16, #tpu.memory_space<hbm>> -> memref<128x160xbf16, #tpu.memory_space<hbm>>
      %dma_wait3A_141 = arith.constant 0 : i32
      %dma_wait3A_142 = tpu.memref_slice %arg4[%arg0, %add3A_108, %dma_wait3A_141] : memref<2x10112x160xbf16, #tpu.memory_space<hbm>> -> memref<1x128x160xbf16, #tpu.memory_space<hbm>>
      %dma_wait3A_143 = tpu.memref_squeeze %dma_wait3A_142 : memref<1x128x160xbf16, #tpu.memory_space<hbm>> -> memref<128x160xbf16, #tpu.memory_space<hbm>>
      %dma_wait3A_144 = arith.constant 0 : i32
      %dma_wait3A_145 = arith.constant 0 : i32
      %dma_wait3A_146 = tpu.memref_slice %arg7[%run_scoped3A_110, %dma_wait3A_144, %dma_wait3A_145] : memref<4x128x160xbf16, #tpu.memory_space<vmem>> -> memref<1x128x160xbf16, #tpu.memory_space<vmem>>
      %dma_wait3A_147 = tpu.memref_squeeze %dma_wait3A_146 : memref<1x128x160xbf16, #tpu.memory_space<vmem>> -> memref<128x160xbf16, #tpu.memory_space<vmem>>
      tpu.wait_dma2 semaphore(%run_scoped3A_119 : memref<!tpu.dma_semaphore, #tpu.memory_space<semaphore_mem>>) src(%dma_wait3A_147 : memref<128x160xbf16, #tpu.memory_space<vmem>>) dst(%dma_wait3A_143 : memref<128x160xbf16, #tpu.memory_space<hbm>>)
      tpu.yield
    }) : () -> ()
    %add3A_111 = arith.constant 384 : i32
    %add3A_112 = arith.addi %mul3A_8, %add3A_111 : i32
    %run_scoped3A_113 = arith.constant 0 : i32
    "tpu.region"() ({
      %run_scoped3A_119 = tpu.sem_alloc : memref<!tpu.dma_semaphore, #tpu.memory_space<semaphore_mem>>
      %dma_start3A_120 = arith.constant 0 : i32
      %dma_start3A_121 = arith.constant 0 : i32
      %dma_start3A_122 = tpu.memref_slice %arg7[%run_scoped3A_113, %dma_start3A_120, %dma_start3A_121] : memref<4x128x160xbf16, #tpu.memory_space<vmem>> -> memref<1x128x160xbf16, #tpu.memory_space<vmem>>
      %dma_start3A_123 = tpu.memref_squeeze %dma_start3A_122 : memref<1x128x160xbf16, #tpu.memory_space<vmem>> -> memref<128x160xbf16, #tpu.memory_space<vmem>>
      %dma_start3A_124 = arith.constant 0 : i32
      %dma_start3A_125 = tpu.memref_slice %arg8[%add3A_112, %dma_start3A_124] : memref<10112x160xbf16, #tpu.memory_space<vmem_shared>> -> memref<128x160xbf16, #tpu.memory_space<vmem_shared>>
      %dma_start3A_126 = arith.constant 0 : i32
      %dma_start3A_127 = arith.constant 0 : i32
      %dma_start3A_128 = tpu.memref_slice %arg7[%run_scoped3A_113, %dma_start3A_126, %dma_start3A_127] : memref<4x128x160xbf16, #tpu.memory_space<vmem>> -> memref<1x128x160xbf16, #tpu.memory_space<vmem>>
      %dma_start3A_129 = tpu.memref_squeeze %dma_start3A_128 : memref<1x128x160xbf16, #tpu.memory_space<vmem>> -> memref<128x160xbf16, #tpu.memory_space<vmem>>
      %dma_start3A_130 = arith.constant 0 : i32
      %dma_start3A_131 = tpu.memref_slice %arg8[%add3A_112, %dma_start3A_130] : memref<10112x160xbf16, #tpu.memory_space<vmem_shared>> -> memref<128x160xbf16, #tpu.memory_space<vmem_shared>>
      tpu.enqueue_dma source(%dma_start3A_131 : memref<128x160xbf16, #tpu.memory_space<vmem_shared>>) target(%dma_start3A_129 : memref<128x160xbf16, #tpu.memory_space<vmem>>) target_semaphore(%run_scoped3A_119 : memref<!tpu.dma_semaphore, #tpu.memory_space<semaphore_mem>>)
      %dma_wait3A_132 = arith.constant 0 : i32
      %dma_wait3A_133 = arith.constant 0 : i32
      %dma_wait3A_134 = tpu.memref_slice %arg7[%run_scoped3A_113, %dma_wait3A_132, %dma_wait3A_133] : memref<4x128x160xbf16, #tpu.memory_space<vmem>> -> memref<1x128x160xbf16, #tpu.memory_space<vmem>>
      %dma_wait3A_135 = tpu.memref_squeeze %dma_wait3A_134 : memref<1x128x160xbf16, #tpu.memory_space<vmem>> -> memref<128x160xbf16, #tpu.memory_space<vmem>>
      %dma_wait3A_136 = arith.constant 0 : i32
      %dma_wait3A_137 = tpu.memref_slice %arg8[%add3A_112, %dma_wait3A_136] : memref<10112x160xbf16, #tpu.memory_space<vmem_shared>> -> memref<128x160xbf16, #tpu.memory_space<vmem_shared>>
      %dma_wait3A_138 = arith.constant 0 : i32
      %dma_wait3A_139 = arith.constant 0 : i32
      %dma_wait3A_140 = tpu.memref_slice %arg7[%run_scoped3A_113, %dma_wait3A_138, %dma_wait3A_139] : memref<4x128x160xbf16, #tpu.memory_space<vmem>> -> memref<1x128x160xbf16, #tpu.memory_space<vmem>>
      %dma_wait3A_141 = tpu.memref_squeeze %dma_wait3A_140 : memref<1x128x160xbf16, #tpu.memory_space<vmem>> -> memref<128x160xbf16, #tpu.memory_space<vmem>>
      %dma_wait3A_142 = arith.constant 0 : i32
      %dma_wait3A_143 = tpu.memref_slice %arg8[%add3A_112, %dma_wait3A_142] : memref<10112x160xbf16, #tpu.memory_space<vmem_shared>> -> memref<128x160xbf16, #tpu.memory_space<vmem_shared>>
      tpu.wait_dma2 semaphore(%run_scoped3A_119 : memref<!tpu.dma_semaphore, #tpu.memory_space<semaphore_mem>>) src(%dma_wait3A_143 : memref<128x160xbf16, #tpu.memory_space<vmem_shared>>) dst(%dma_wait3A_141 : memref<128x160xbf16, #tpu.memory_space<vmem>>)
      tpu.yield
    }) : () -> ()
    %run_scoped3A_114 = arith.constant 0 : i32
    "tpu.region"() ({
      %run_scoped3A_119 = tpu.sem_alloc : memref<!tpu.dma_semaphore, #tpu.memory_space<semaphore_mem>>
      %dma_start3A_120 = arith.constant 0 : i32
      %dma_start3A_121 = arith.constant 0 : i32
      %dma_start3A_122 = tpu.memref_slice %arg7[%run_scoped3A_114, %dma_start3A_120, %dma_start3A_121] : memref<4x128x160xbf16, #tpu.memory_space<vmem>> -> memref<1x128x160xbf16, #tpu.memory_space<vmem>>
      %dma_start3A_123 = tpu.memref_squeeze %dma_start3A_122 : memref<1x128x160xbf16, #tpu.memory_space<vmem>> -> memref<128x160xbf16, #tpu.memory_space<vmem>>
      %dma_start3A_124 = arith.constant 0 : i32
      %dma_start3A_125 = tpu.memref_slice %arg4[%arg0, %add3A_112, %dma_start3A_124] : memref<2x10112x160xbf16, #tpu.memory_space<hbm>> -> memref<1x128x160xbf16, #tpu.memory_space<hbm>>
      %dma_start3A_126 = tpu.memref_squeeze %dma_start3A_125 : memref<1x128x160xbf16, #tpu.memory_space<hbm>> -> memref<128x160xbf16, #tpu.memory_space<hbm>>
      %dma_start3A_127 = arith.constant 0 : i32
      %dma_start3A_128 = tpu.memref_slice %arg4[%arg0, %add3A_112, %dma_start3A_127] : memref<2x10112x160xbf16, #tpu.memory_space<hbm>> -> memref<1x128x160xbf16, #tpu.memory_space<hbm>>
      %dma_start3A_129 = tpu.memref_squeeze %dma_start3A_128 : memref<1x128x160xbf16, #tpu.memory_space<hbm>> -> memref<128x160xbf16, #tpu.memory_space<hbm>>
      %dma_start3A_130 = arith.constant 0 : i32
      %dma_start3A_131 = arith.constant 0 : i32
      %dma_start3A_132 = tpu.memref_slice %arg7[%run_scoped3A_114, %dma_start3A_130, %dma_start3A_131] : memref<4x128x160xbf16, #tpu.memory_space<vmem>> -> memref<1x128x160xbf16, #tpu.memory_space<vmem>>
      %dma_start3A_133 = tpu.memref_squeeze %dma_start3A_132 : memref<1x128x160xbf16, #tpu.memory_space<vmem>> -> memref<128x160xbf16, #tpu.memory_space<vmem>>
      tpu.enqueue_dma source(%dma_start3A_133 : memref<128x160xbf16, #tpu.memory_space<vmem>>) target(%dma_start3A_129 : memref<128x160xbf16, #tpu.memory_space<hbm>>) target_semaphore(%run_scoped3A_119 : memref<!tpu.dma_semaphore, #tpu.memory_space<semaphore_mem>>)
      %dma_wait3A_134 = arith.constant 0 : i32
      %dma_wait3A_135 = arith.constant 0 : i32
      %dma_wait3A_136 = tpu.memref_slice %arg7[%run_scoped3A_114, %dma_wait3A_134, %dma_wait3A_135] : memref<4x128x160xbf16, #tpu.memory_space<vmem>> -> memref<1x128x160xbf16, #tpu.memory_space<vmem>>
      %dma_wait3A_137 = tpu.memref_squeeze %dma_wait3A_136 : memref<1x128x160xbf16, #tpu.memory_space<vmem>> -> memref<128x160xbf16, #tpu.memory_space<vmem>>
      %dma_wait3A_138 = arith.constant 0 : i32
      %dma_wait3A_139 = tpu.memref_slice %arg4[%arg0, %add3A_112, %dma_wait3A_138] : memref<2x10112x160xbf16, #tpu.memory_space<hbm>> -> memref<1x128x160xbf16, #tpu.memory_space<hbm>>
      %dma_wait3A_140 = tpu.memref_squeeze %dma_wait3A_139 : memref<1x128x160xbf16, #tpu.memory_space<hbm>> -> memref<128x160xbf16, #tpu.memory_space<hbm>>
      %dma_wait3A_141 = arith.constant 0 : i32
      %dma_wait3A_142 = tpu.memref_slice %arg4[%arg0, %add3A_112, %dma_wait3A_141] : memref<2x10112x160xbf16, #tpu.memory_space<hbm>> -> memref<1x128x160xbf16, #tpu.memory_space<hbm>>
      %dma_wait3A_143 = tpu.memref_squeeze %dma_wait3A_142 : memref<1x128x160xbf16, #tpu.memory_space<hbm>> -> memref<128x160xbf16, #tpu.memory_space<hbm>>
      %dma_wait3A_144 = arith.constant 0 : i32
      %dma_wait3A_145 = arith.constant 0 : i32
      %dma_wait3A_146 = tpu.memref_slice %arg7[%run_scoped3A_114, %dma_wait3A_144, %dma_wait3A_145] : memref<4x128x160xbf16, #tpu.memory_space<vmem>> -> memref<1x128x160xbf16, #tpu.memory_space<vmem>>
      %dma_wait3A_147 = tpu.memref_squeeze %dma_wait3A_146 : memref<1x128x160xbf16, #tpu.memory_space<vmem>> -> memref<128x160xbf16, #tpu.memory_space<vmem>>
      tpu.wait_dma2 semaphore(%run_scoped3A_119 : memref<!tpu.dma_semaphore, #tpu.memory_space<semaphore_mem>>) src(%dma_wait3A_147 : memref<128x160xbf16, #tpu.memory_space<vmem>>) dst(%dma_wait3A_143 : memref<128x160xbf16, #tpu.memory_space<hbm>>)
      tpu.yield
    }) : () -> ()
    %add3A_115 = arith.constant 512 : i32
    %add3A_116 = arith.addi %mul3A_8, %add3A_115 : i32
    %run_scoped3A_117 = arith.constant 0 : i32
    "tpu.region"() ({
      %run_scoped3A_119 = tpu.sem_alloc : memref<!tpu.dma_semaphore, #tpu.memory_space<semaphore_mem>>
      %dma_start3A_120 = arith.constant 0 : i32
      %dma_start3A_121 = arith.constant 0 : i32
      %dma_start3A_122 = tpu.memref_slice %arg7[%run_scoped3A_117, %dma_start3A_120, %dma_start3A_121] : memref<4x128x160xbf16, #tpu.memory_space<vmem>> -> memref<1x120x160xbf16, #tpu.memory_space<vmem>>
      %dma_start3A_123 = tpu.memref_squeeze %dma_start3A_122 : memref<1x120x160xbf16, #tpu.memory_space<vmem>> -> memref<120x160xbf16, #tpu.memory_space<vmem>>
      %dma_start3A_124 = arith.constant 0 : i32
      %dma_start3A_125 = tpu.memref_slice %arg8[%add3A_116, %dma_start3A_124] : memref<10112x160xbf16, #tpu.memory_space<vmem_shared>> -> memref<120x160xbf16, #tpu.memory_space<vmem_shared>>
      %dma_start3A_126 = arith.constant 0 : i32
      %dma_start3A_127 = arith.constant 0 : i32
      %dma_start3A_128 = tpu.memref_slice %arg7[%run_scoped3A_117, %dma_start3A_126, %dma_start3A_127] : memref<4x128x160xbf16, #tpu.memory_space<vmem>> -> memref<1x120x160xbf16, #tpu.memory_space<vmem>>
      %dma_start3A_129 = tpu.memref_squeeze %dma_start3A_128 : memref<1x120x160xbf16, #tpu.memory_space<vmem>> -> memref<120x160xbf16, #tpu.memory_space<vmem>>
      %dma_start3A_130 = arith.constant 0 : i32
      %dma_start3A_131 = tpu.memref_slice %arg8[%add3A_116, %dma_start3A_130] : memref<10112x160xbf16, #tpu.memory_space<vmem_shared>> -> memref<120x160xbf16, #tpu.memory_space<vmem_shared>>
      tpu.enqueue_dma source(%dma_start3A_131 : memref<120x160xbf16, #tpu.memory_space<vmem_shared>>) target(%dma_start3A_129 : memref<120x160xbf16, #tpu.memory_space<vmem>>) target_semaphore(%run_scoped3A_119 : memref<!tpu.dma_semaphore, #tpu.memory_space<semaphore_mem>>)
      %dma_wait3A_132 = arith.constant 0 : i32
      %dma_wait3A_133 = arith.constant 0 : i32
      %dma_wait3A_134 = tpu.memref_slice %arg7[%run_scoped3A_117, %dma_wait3A_132, %dma_wait3A_133] : memref<4x128x160xbf16, #tpu.memory_space<vmem>> -> memref<1x120x160xbf16, #tpu.memory_space<vmem>>
      %dma_wait3A_135 = tpu.memref_squeeze %dma_wait3A_134 : memref<1x120x160xbf16, #tpu.memory_space<vmem>> -> memref<120x160xbf16, #tpu.memory_space<vmem>>
      %dma_wait3A_136 = arith.constant 0 : i32
      %dma_wait3A_137 = tpu.memref_slice %arg8[%add3A_116, %dma_wait3A_136] : memref<10112x160xbf16, #tpu.memory_space<vmem_shared>> -> memref<120x160xbf16, #tpu.memory_space<vmem_shared>>
      %dma_wait3A_138 = arith.constant 0 : i32
      %dma_wait3A_139 = arith.constant 0 : i32
      %dma_wait3A_140 = tpu.memref_slice %arg7[%run_scoped3A_117, %dma_wait3A_138, %dma_wait3A_139] : memref<4x128x160xbf16, #tpu.memory_space<vmem>> -> memref<1x120x160xbf16, #tpu.memory_space<vmem>>
      %dma_wait3A_141 = tpu.memref_squeeze %dma_wait3A_140 : memref<1x120x160xbf16, #tpu.memory_space<vmem>> -> memref<120x160xbf16, #tpu.memory_space<vmem>>
      %dma_wait3A_142 = arith.constant 0 : i32
      %dma_wait3A_143 = tpu.memref_slice %arg8[%add3A_116, %dma_wait3A_142] : memref<10112x160xbf16, #tpu.memory_space<vmem_shared>> -> memref<120x160xbf16, #tpu.memory_space<vmem_shared>>
      tpu.wait_dma2 semaphore(%run_scoped3A_119 : memref<!tpu.dma_semaphore, #tpu.memory_space<semaphore_mem>>) src(%dma_wait3A_143 : memref<120x160xbf16, #tpu.memory_space<vmem_shared>>) dst(%dma_wait3A_141 : memref<120x160xbf16, #tpu.memory_space<vmem>>)
      tpu.yield
    }) : () -> ()
    %run_scoped3A_118 = arith.constant 0 : i32
    "tpu.region"() ({
      %run_scoped3A_119 = tpu.sem_alloc : memref<!tpu.dma_semaphore, #tpu.memory_space<semaphore_mem>>
      %dma_start3A_120 = arith.constant 0 : i32
      %dma_start3A_121 = arith.constant 0 : i32
      %dma_start3A_122 = tpu.memref_slice %arg7[%run_scoped3A_118, %dma_start3A_120, %dma_start3A_121] : memref<4x128x160xbf16, #tpu.memory_space<vmem>> -> memref<1x120x160xbf16, #tpu.memory_space<vmem>>
      %dma_start3A_123 = tpu.memref_squeeze %dma_start3A_122 : memref<1x120x160xbf16, #tpu.memory_space<vmem>> -> memref<120x160xbf16, #tpu.memory_space<vmem>>
      %dma_start3A_124 = arith.constant 0 : i32
      %dma_start3A_125 = tpu.memref_slice %arg4[%arg0, %add3A_116, %dma_start3A_124] : memref<2x10112x160xbf16, #tpu.memory_space<hbm>> -> memref<1x120x160xbf16, #tpu.memory_space<hbm>>
      %dma_start3A_126 = tpu.memref_squeeze %dma_start3A_125 : memref<1x120x160xbf16, #tpu.memory_space<hbm>> -> memref<120x160xbf16, #tpu.memory_space<hbm>>
      %dma_start3A_127 = arith.constant 0 : i32
      %dma_start3A_128 = tpu.memref_slice %arg4[%arg0, %add3A_116, %dma_start3A_127] : memref<2x10112x160xbf16, #tpu.memory_space<hbm>> -> memref<1x120x160xbf16, #tpu.memory_space<hbm>>
      %dma_start3A_129 = tpu.memref_squeeze %dma_start3A_128 : memref<1x120x160xbf16, #tpu.memory_space<hbm>> -> memref<120x160xbf16, #tpu.memory_space<hbm>>
      %dma_start3A_130 = arith.constant 0 : i32
      %dma_start3A_131 = arith.constant 0 : i32
      %dma_start3A_132 = tpu.memref_slice %arg7[%run_scoped3A_118, %dma_start3A_130, %dma_start3A_131] : memref<4x128x160xbf16, #tpu.memory_space<vmem>> -> memref<1x120x160xbf16, #tpu.memory_space<vmem>>
      %dma_start3A_133 = tpu.memref_squeeze %dma_start3A_132 : memref<1x120x160xbf16, #tpu.memory_space<vmem>> -> memref<120x160xbf16, #tpu.memory_space<vmem>>
      tpu.enqueue_dma source(%dma_start3A_133 : memref<120x160xbf16, #tpu.memory_space<vmem>>) target(%dma_start3A_129 : memref<120x160xbf16, #tpu.memory_space<hbm>>) target_semaphore(%run_scoped3A_119 : memref<!tpu.dma_semaphore, #tpu.memory_space<semaphore_mem>>)
      %dma_wait3A_134 = arith.constant 0 : i32
      %dma_wait3A_135 = arith.constant 0 : i32
      %dma_wait3A_136 = tpu.memref_slice %arg7[%run_scoped3A_118, %dma_wait3A_134, %dma_wait3A_135] : memref<4x128x160xbf16, #tpu.memory_space<vmem>> -> memref<1x120x160xbf16, #tpu.memory_space<vmem>>
      %dma_wait3A_137 = tpu.memref_squeeze %dma_wait3A_136 : memref<1x120x160xbf16, #tpu.memory_space<vmem>> -> memref<120x160xbf16, #tpu.memory_space<vmem>>
      %dma_wait3A_138 = arith.constant 0 : i32
      %dma_wait3A_139 = tpu.memref_slice %arg4[%arg0, %add3A_116, %dma_wait3A_138] : memref<2x10112x160xbf16, #tpu.memory_space<hbm>> -> memref<1x120x160xbf16, #tpu.memory_space<hbm>>
      %dma_wait3A_140 = tpu.memref_squeeze %dma_wait3A_139 : memref<1x120x160xbf16, #tpu.memory_space<hbm>> -> memref<120x160xbf16, #tpu.memory_space<hbm>>
      %dma_wait3A_141 = arith.constant 0 : i32
      %dma_wait3A_142 = tpu.memref_slice %arg4[%arg0, %add3A_116, %dma_wait3A_141] : memref<2x10112x160xbf16, #tpu.memory_space<hbm>> -> memref<1x120x160xbf16, #tpu.memory_space<hbm>>
      %dma_wait3A_143 = tpu.memref_squeeze %dma_wait3A_142 : memref<1x120x160xbf16, #tpu.memory_space<hbm>> -> memref<120x160xbf16, #tpu.memory_space<hbm>>
      %dma_wait3A_144 = arith.constant 0 : i32
      %dma_wait3A_145 = arith.constant 0 : i32
      %dma_wait3A_146 = tpu.memref_slice %arg7[%run_scoped3A_118, %dma_wait3A_144, %dma_wait3A_145] : memref<4x128x160xbf16, #tpu.memory_space<vmem>> -> memref<1x120x160xbf16, #tpu.memory_space<vmem>>
      %dma_wait3A_147 = tpu.memref_squeeze %dma_wait3A_146 : memref<1x120x160xbf16, #tpu.memory_space<vmem>> -> memref<120x160xbf16, #tpu.memory_space<vmem>>
      tpu.wait_dma2 semaphore(%run_scoped3A_119 : memref<!tpu.dma_semaphore, #tpu.memory_space<semaphore_mem>>) src(%dma_wait3A_147 : memref<120x160xbf16, #tpu.memory_space<vmem>>) dst(%dma_wait3A_143 : memref<120x160xbf16, #tpu.memory_space<hbm>>)
      tpu.yield
    }) : () -> ()
    return
  }
}

module attributes {stable_mosaic.version = 14 : i64} {
  func.func @body(%arg0: i32, %arg1: memref<400x128xf32, #tpu.memory_space<vmem>>, %arg2: memref<2x400x160xbf16, #tpu.memory_space<vmem>>, %arg3: memref<256x128xf32, #tpu.memory_space<vmem>>, %arg4: memref<1x128xf32, #tpu.memory_space<vmem>>, %arg5: memref<400x128xf32, #tpu.memory_space<vmem>>) attributes {dimension_semantics = [#tpu.dimension_semantics<arbitrary>], iteration_bounds = array<i64: 25>, scalar_prefetch = 0 : i64, scratch_operands = 0 : i64, tpu.core_type = #tpu.core_type<tc>, window_params = [{transform_indices = @transform_0, window_bounds = array<i64: 400, 128>}, {transform_indices = @transform_1, window_bounds = array<i64: 2, 400, 160>}, {pipeline_mode = #tpu.pipeline_mode<synchronous>, transform_indices = @transform_2, window_bounds = array<i64: 256, 128>}, {pipeline_mode = #tpu.pipeline_mode<synchronous>, transform_indices = @transform_3, window_bounds = array<i64: 1, 128>}, {transform_indices = @transform_4, window_bounds = array<i64: 400, 128>}]} {
    %get3A = arith.constant 0 : index
    %get3A_0 = arith.constant 0 : index
    %get3A_1 = vector.load %arg1[%get3A, %get3A_0] : memref<400x128xf32, #tpu.memory_space<vmem>>, vector<400x128xf32>
    %get3A_2 = arith.constant 0 : index
    %get3A_3 = arith.constant 0 : index
    %get3A_4 = arith.constant 0 : index
    %get3A_5 = vector.load %arg2[%get3A_2, %get3A_3, %get3A_4] : memref<2x400x160xbf16, #tpu.memory_space<vmem>>, vector<1x400x160xbf16>
    %get3A_6 = vector.shape_cast %get3A_5 : vector<1x400x160xbf16> to vector<400x160xbf16>
    %convert_element_type3A = arith.extf %get3A_6 : vector<400x160xbf16> to vector<400x160xf32>
    %get3A_7 = arith.constant 1 : index
    %get3A_8 = arith.constant 0 : index
    %get3A_9 = arith.constant 0 : index
    %get3A_10 = vector.load %arg2[%get3A_7, %get3A_8, %get3A_9] : memref<2x400x160xbf16, #tpu.memory_space<vmem>>, vector<1x400x160xbf16>
    %get3A_11 = vector.shape_cast %get3A_10 : vector<1x400x160xbf16> to vector<400x160xbf16>
    %convert_element_type3A_12 = arith.extf %get3A_11 : vector<400x160xbf16> to vector<400x160xf32>
    %add3A = arith.addf %convert_element_type3A, %convert_element_type3A_12 : vector<400x160xf32>
    %slice3A = vector.extract_strided_slice %add3A {offsets = [0, 0], sizes = [400, 128], strides = [1, 1]} : vector<400x160xf32> to vector<400x128xf32>
    %slice3A_13 = vector.extract_strided_slice %add3A {offsets = [0, 128], sizes = [400, 1], strides = [1, 1]} : vector<400x160xf32> to vector<400x1xf32>
    %gt3A = arith.constant 0.000000e+00 : f32
    %gt3A_14 = vector.broadcast %gt3A : f32 to vector<400x1xf32>
    %gt3A_15 = arith.cmpf ogt, %slice3A_13, %gt3A_14 : vector<400x1xf32>
    %max3A = arith.constant 1.000000e+00 : f32
    %max3A_16 = vector.broadcast %max3A : f32 to vector<400x1xf32>
    %max3A_17 = arith.maximumf %slice3A_13, %max3A_16 : vector<400x1xf32>
    %div3A = vector.broadcast %max3A_17 : vector<400x1xf32> to vector<400x128xf32>
    %div3A_18 = arith.divf %slice3A, %div3A : vector<400x128xf32>
    %jit3A = arith.constant 0.000000e+00 : f32
    %broadcast_in_dim3A = vector.shape_cast %gt3A_15 : vector<400x1xi1> to vector<400x1xi1>
    %broadcast_in_dim3A_19 = vector.broadcast %broadcast_in_dim3A : vector<400x1xi1> to vector<400x128xi1>
    %broadcast_in_dim3A_20 = vector.broadcast %jit3A : f32 to vector<400x128xf32>
    %select_n3A = arith.select %broadcast_in_dim3A_19, %div3A_18, %broadcast_in_dim3A_20 : vector<400x128xi1>, vector<400x128xf32>
    %concatenate3A = tpu.concatenate %get3A_1, %select_n3A in 1 : vector<400x128xf32>, vector<400x128xf32> -> vector<400x256xf32>
    %get3A_21 = arith.constant 0 : index
    %get3A_22 = arith.constant 0 : index
    %get3A_23 = vector.load %arg3[%get3A_21, %get3A_22] : memref<256x128xf32, #tpu.memory_space<vmem>>, vector<256x128xf32>
    %dot_general3A = arith.constant dense<0.000000e+00> : vector<400x128xf32>
    %dot_general3A_24 = tpu.matmul %concatenate3A, %get3A_23, %dot_general3A {dimension_numbers = #tpu.dot_dimension_numbers<[1], [0], [0], [1], [0, 0, 1, 1], [], []>, transpose_lhs_hint = false} : vector<400x256xf32>, vector<256x128xf32>, vector<400x128xf32> -> vector<400x128xf32>
    %get3A_25 = arith.constant 0 : index
    %get3A_26 = arith.constant 0 : index
    %get3A_27 = vector.load %arg4[%get3A_25, %get3A_26] : memref<1x128xf32, #tpu.memory_space<vmem>>, vector<1x128xf32>
    %add3A_28 = vector.broadcast %get3A_27 : vector<1x128xf32> to vector<400x128xf32>
    %add3A_29 = arith.addf %dot_general3A_24, %add3A_28 : vector<400x128xf32>
    %swap3A = arith.constant 0 : index
    %swap3A_30 = arith.constant 0 : index
    %swap3A_31 = vector.load %arg5[%swap3A, %swap3A_30] : memref<400x128xf32, #tpu.memory_space<vmem>>, vector<400x128xf32>
    tpu.vector_store %arg5[%swap3A, %swap3A_30], %add3A_29 {strides = array<i32>} : memref<400x128xf32, #tpu.memory_space<vmem>>, vector<400x128xf32>,
    return
  }
  func.func @transform_0(%arg0: i32) -> (i32, i32) {
    %c0_i32 = arith.constant 0 : i32
    %c0_i32_0 = arith.constant 0 : i32
    return %arg0, %c0_i32 : i32, i32
  }
  func.func @transform_1(%arg0: i32) -> (i32, i32, i32) {
    %c0_i32 = arith.constant 0 : i32
    %c0_i32_0 = arith.constant 0 : i32
    %c0_i32_1 = arith.constant 0 : i32
    return %c0_i32, %arg0, %c0_i32_0 : i32, i32, i32
  }
  func.func @transform_2(%arg0: i32) -> (i32, i32) {
    %c0_i32 = arith.constant 0 : i32
    %c0_i32_0 = arith.constant 0 : i32
    %c0_i32_1 = arith.constant 0 : i32
    return %c0_i32, %c0_i32_0 : i32, i32
  }
  func.func @transform_3(%arg0: i32) -> (i32, i32) {
    %c0_i32 = arith.constant 0 : i32
    %c0_i32_0 = arith.constant 0 : i32
    %c0_i32_1 = arith.constant 0 : i32
    return %c0_i32, %c0_i32_0 : i32, i32
  }
  func.func @transform_4(%arg0: i32) -> (i32, i32) {
    %c0_i32 = arith.constant 0 : i32
    %c0_i32_0 = arith.constant 0 : i32
    return %arg0, %c0_i32 : i32, i32
  }
}

</mosaic_0001>

<sc_bundles>
// kernel: kernel.4.cloned.1.call-start
scs
__scs_entry_jumppad:
0x0: {  	(pc) =	sbr.rel $0x88, $3  }
0x1: {  	(tag) =	ssettag $0x0;
	lr =	simm.s32 $0x1  }
0x2: {  	[smem:$0x3F9D] =	sst lr;
	_ =	strace $0xD0000000  }
0x3: {  	_ = 	snop  }
0x4: {  	_ = 	snop  }
0x5: {  	_ = 	snop  }
0x6: {  	_ = 	snop  }
0x7: {  	_ = 	snop  }
__scs_overlays_trampoline_lowered:
0x8: {  	[smem:$0x3FAC] =	sst s0  }
0x9: {  	[smem:$0x3FAD] =	sst s1  }
0xa: {  	[smem:$0x3FAE] =	sst s2  }
0xb: {  	[smem:$0x3FAF] =	sst s3  }
0xc: {  	[smem:$0x3FB0] =	sst s4  }
0xd: {  	[smem:$0x3FB1] =	sst s5  }
0xe: {  	[smem:$0x3FB2] =	sst s6  }
0xf: {  	[smem:$0x3FB3] =	sst s7  }
0x10: {  	[smem:$0x3FB4] =	sst s8  }
0x11: {  	[smem:$0x3FB5] =	sst s9;
	s0 =	simm.s32 @!p0 $0x0  }
0x12: {  	s1 =	sld [smem:$0x3F9B];
	s0 =	simm.s32 @p0 $0x1  }
0x13: {  	[smem:$0x3FB6] =	sst s0;
	s0 =	simm.s32 @!p1 $0x0  }
0x14: {  	s2 =	sld [smem:$0x3F9A];
	s0 =	simm.s32 @p1 $0x1  }
0x15: {  	[smem:$0x3FB7] =	sst s0;
	s0 =	simm.s32 @!p2 $0x0  }
0x16: {  	s3 =	sld [smem:$0x3FDB];
	s0 =	simm.s32 @p2 $0x1  }
0x17: {  	s4 =	simm.s32 $0x1BF5;
	[smem:$0x3FB9] =	sst s0  }
0x18: {  	s0 =	sld [smem:$0x3F9C];
	_ =	swait.ge [sflag:s4], $0x0  }
0x19: {  	s7 =	sld [smem:$0x3F9D]  }
0x1a: {  	s8 =	sadd.s32 $0xFFFFE003, lr  }
0x1b: {  	s9 =	sadd.s32 $0xFFFFFEF7, lr;
	s5 =	simm.s32 $0xFFFFFFFF;
	p2 =	slt.u32 s8, $0xFFFFF086  }
0x1c: {  	p1 =	slt.u32 s9, $0xF7A;
	s5 =	simm.s32 @!p2 $0x0  }
0x1d: {  	s5 =	simm.s32 @p1 $0x1;
	p0 =	seq.s32 s7, s2  }
0x1e: {  	s7 =	smul.u32 @!p0 $0xF7A, s2;
	p2 =	seq.s32 @!p0 s5, $0x0  }
0x1f: {  	s9 =	smul.u32 $0xF7A, s1;
	s8 =	simm.s32 @!p0 $0x1BF5;
	p2 =	por !p2, p0  }
0x20: {  	[sflag:s8] =	ssyncset.s32 @!p0 $0xFFFFF086;
	s6 =	sadd.s32 @!p0 s3, s7;
	s7 =	simm.s32 @!p0 $0x108  }
0x21: {  	s3 =	sadd.s32 s3, s9;
	s6 =	sadd.s32 @!p0 $0x88, s6;
	s7 =	simm.s32 @p2 $0x1082  }
0x22: {  	[simem:s7], [sflag:s8] =	dma.local @!p0 [hbm:s6], $0xF7A  }
0x23: {  	s9 =	sor.u32 $0xD0000000, s2;
	s6 =	simm.s32 $0x108;
	_ =	swait.ge @!p0 [sflag:s8], $0x0  }
0x24: {  	s3 =	sadd.s32 $0x88, s3;
	s6 =	simm.s32 @!p1 $0x1082;
	[sflag:s4] =	ssyncset.s32 $0xFFFFF086  }
0x25: {  	[simem:s6], [sflag:s4] =	dma.local [hbm:s3], $0xF7A  }
0x26: {  	[smem:$0x3F9D] =	sst s1;
	(tag) =	ssettag s2;
	_ =	strace s9  }
0x27: {  	s1 =	sld [smem:$0x3FAD]  }
0x28: {  	s2 =	sld [smem:$0x3FAE]  }
0x29: {  	s4 =	sld [smem:$0x3FB0]  }
0x2a: {  	p0 =	seq.s32 s5, $0x0;
	s5 =	sld [smem:$0x3FB1]  }
0x2b: {  	s6 =	sld [smem:$0x3FB2]  }
0x2c: {  	s7 =	sld [smem:$0x3FB3]  }
0x2d: {  	s3 =	simm.s32 $0x108;
	s8 =	sld [smem:$0x3FB4]  }
0x2e: {  	s3 =	simm.s32 @!p0 $0x1082;
	s9 =	sld [smem:$0x3FB5]  }
0x2f: {  	lr =	sadd.s32 s0, s3;
	s0 =	sld [smem:$0x3FAC]  }
0x30: {  	s3 =	sld [smem:$0x3FAF]  }
0x31: {  	[smem:$0x3FB8] =	sst s10  }
0x32: {  	s10 =	sld [smem:$0x3FB6];
	_ =	sdelay $0x3  }
0x33: {  	p0 =	seq.s32 s10, $0x1;
	s10 =	sld [smem:$0x3FB8];
	_ =	sdelay $0x3  }
0x34: {  	[smem:$0x3FB8] =	sst s10  }
0x35: {  	s10 =	sld [smem:$0x3FB7];
	_ =	sdelay $0x3  }
0x36: {  	p1 =	seq.s32 s10, $0x1;
	s10 =	sld [smem:$0x3FB8];
	_ =	sdelay $0x3  }
0x37: {  	[smem:$0x3FB8] =	sst s10  }
0x38: {  	s10 =	sld [smem:$0x3FB9]  }
0x39: {  	_ = 	snop;
	(pc) =	sbr.ind lr, $3  }
0x3a: {  	_ = 	snop  }
0x3b: {  	_ = 	snop  }
0x3c: {  	p2 =	seq.s32 s10, $0x1;
	s10 =	sld [smem:$0x3FB8]  }
0x3d: {  	_ =	shalt  }
0x3e: {  	_ =	shalt  }
0x3f: {  	_ =	shalt  }
0x40: {  	_ =	shalt  }
0x41: {  	_ =	shalt  }
0x42: {  	_ =	shalt  }
0x43: {  	_ =	shalt  }
0x44: {  	_ =	shalt  }
0x45: {  	_ =	shalt  }
0x46: {  	_ =	shalt  }
0x47: {  	_ =	shalt  }
0x48: {  	_ =	shalt  }
0x49: {  	_ =	shalt  }
0x4a: {  	_ =	shalt  }
0x4b: {  	_ =	shalt  }
0x4c: {  	_ =	shalt  }
0x4d: {  	_ =	shalt  }
0x4e: {  	_ =	shalt  }
0x4f: {  	_ =	shalt  }
0x50: {  	_ =	shalt  }
0x51: {  	_ =	shalt  }
0x52: {  	_ =	shalt  }
0x53: {  	_ =	shalt  }
0x54: {  	_ =	shalt  }
0x55: {  	_ =	shalt  }
0x56: {  	_ =	shalt  }
0x57: {  	_ =	shalt  }
0x58: {  	_ =	shalt  }
0x59: {  	_ =	shalt  }
0x5a: {  	_ =	shalt  }
0x5b: {  	_ =	shalt  }
0x5c: {  	_ =	shalt  }
0x5d: {  	_ =	shalt  }
0x5e: {  	_ =	shalt  }
0x5f: {  	_ =	shalt  }
0x60: {  	_ =	shalt  }
0x61: {  	_ =	shalt  }
0x62: {  	_ =	shalt  }
0x63: {  	_ =	shalt  }
0x64: {  	_ =	shalt  }
0x65: {  	_ =	shalt  }
0x66: {  	_ =	shalt  }
0x67: {  	_ =	shalt  }
0x68: {  	_ =	shalt  }
0x69: {  	_ =	shalt  }
0x6a: {  	_ =	shalt  }
0x6b: {  	_ =	shalt  }
0x6c: {  	_ =	shalt  }
0x6d: {  	_ =	shalt  }
0x6e: {  	_ =	shalt  }
0x6f: {  	_ =	shalt  }
0x70: {  	_ =	shalt  }
0x71: {  	_ =	shalt  }
0x72: {  	_ =	shalt  }
0x73: {  	_ =	shalt  }
0x74: {  	_ =	shalt  }
0x75: {  	_ =	shalt  }
0x76: {  	_ =	shalt  }
0x77: {  	_ =	shalt  }
0x78: {  	_ =	shalt  }
0x79: {  	_ =	shalt  }
0x7a: {  	_ =	shalt  }
0x7b: {  	_ =	shalt  }
0x7c: {  	_ =	shalt  }
0x7d: {  	_ =	shalt  }
0x7e: {  	_ =	shalt  }
0x7f: {  	_ =	shalt  }
0x80: {  	_ =	shalt  }
0x81: {  	_ =	shalt  }
0x82: {  	_ =	shalt  }
0x83: {  	_ =	shalt  }
0x84: {  	_ =	shalt  }
0x85: {  	_ =	shalt  }
0x86: {  	_ =	shalt  }
0x87: {  	_ =	shalt  }
.Lfunc_end0:
.L_simem_size_0:
called_computation_lowered:
.L_overlay_start_0:
0x88: {  	s2 =	sld [smem:$0x3FD9]  }
0x89: {  	s3 =	sld [smem:$0x3FFE];
	_ =	sdelay $0x1  }
0x8a: {  	s1 =	srdreg.scid  }
0x8b: {  	s0 =	sand.u32 $0x1, s1  }
0x8c: {  	s17 =	sshll.u32 s0, $0xA;
	s2 =	sadd.s32 s3, s2  }
0x8d: {  	s2 =	sadd.s32 s2, s17  }
0x8e: {  	[smem:$0x3FC4] =	sst s2  }
0x8f: {  	_ = 	snop  }
0x90: {  	s2 =	sld [smem:$0x3FD0];
	(tm) =	ssettm $0x1  }
0x91: {  	s18 =	sld [smem:$0x3FFB];
	_ =	sdelay $0x3  }
0x92: {  	_ =	strace s18  }
0x93: {  	s3 =	sld [smem:$0x3FFC];
	_ =	sdelay $0x3  }
0x94: {  	_ =	strace s3  }
0x95: {  	s3 =	sld [smem:$0x3FFD];
	_ =	sdelay $0x3  }
0x96: {  	_ =	strace s3  }
0x97: {  	_ =	strace $0x8FFFFFFF  }
0x98: {  	s19 =	sld [smem:$0x3FDB];
	_ =	sdelay $0x1  }
0x99: {  	s4 =	simm.s32 $_scs_section_size  }
0x9a: {  	s5 =	simm.s32 $_size__tile_overlayer_lowered;
	s6 =	simm.s32 $_tile_overlayer_lowered  }
0x9b: {  	s22 =	simm.s32 $0x1BFF;
	s21 =	sshll.u32 s6, $0x1;
	s3 =	sadd.s32 s4, s19  }
0x9c: {  	s7 =	simm.s32 $0x0;
	s20 =	sshll.u32 s5, $0x1;
	s5 =	sadd.s32 s21, s3  }
0x9d: {  	[timem:s7], [sflag:s22] =	dma.local [hbm:s5], s20  }
0x9e: {  	_ =	swait.ge [sflag:s22], s20  }
0x9f: {  	s4 =	ssub.s32 $0x0, s20;
	[sflag:s22] =	ssyncset.done $0x0  }
0xa0: {  	[sflag:s22] =	ssyncadd.s32 s4;
	_ =	sdelay $0x1  }
0xa1: {  	s23 =	simm.s32 $0x1B8B  }
0xa2: {  	_ =	swait.ge [sflag:s23], $0x1  }
0xa3: {  	[sflag:s23] =	ssyncset.done $0x0  }
0xa4: {  	s25 =	simm.s32 $0x1B8E;
	s24 =	sld [smem:$0x3FFE];
	[sflag:s23] =	ssyncadd.s32 $0xFFFFFFFF  }
0xa5: {  	s26 =	simm.s32 $execute0_lowered;
	[smem:$0x3FD2] =	sst s25  }
0xa6: {  	s5 =	sshll.u32 s26, $0x1;
	_ =	strace $0x80000046;
	[dreg:$0x1] =	wrdreg $0xFFFFFFFF  }
0xa7: {  	s28 =	simm.s32 $_size_execute0_lowered;
	s3 =	sadd.s32 s3, s5;
	[dreg:$0x0] =	wrdreg $0x0  }
0xa8: {  	s5 =	sshll.u32 s28, $0x1;
	[dreg:$0x2] =	wrdreg s3  }
0xa9: {  	[dreg:$0x3] =	wrdreg s5  }
0xaa: {  	[dreg:$0x4] =	wrdreg $0xC0  }
0xab: {  	_ =	task [dreg:s7], $0x5FFFF  }
0xac: {  	[dreg:$0x1] =	wrdreg $0xFFFFFFFF  }
0xad: {  	[dreg:$0x0] =	wrdreg $0x60  }
0xae: {  	[dreg:$0x2] =	wrdreg s2  }
0xaf: {  	[dreg:$0x3] =	wrdreg s24  }
0xb0: {  	[dreg:$0x4] =	wrdreg $0xEF000  }
0xb1: {  	[dreg:$0x5] =	wrdreg $0x9  }
0xb2: {  	_ =	task.clear_ibuf [dreg:s7], $0x6FFFF;
	_ =	strace $0x90000046  }
0xb3: {  	s29 =	simm.s32 $0x9;
	_ =	strace $0x80000048  }
0xb4: {  	_ =	swait.ge [sflag:s29], $0x1  }
0xb5: {  	[sflag:s29] =	ssyncadd.s32 $0xFFFFFFFF  }
0xb6: {  	_ =	strace $0x90000048  }
0xb7: {  	_ =	sfence  }
0xb8: {  	s30 =	sld [smem:$0x0];
	_ =	sdelay $0x2  }
0xb9: {  	s31 =	sshll.u32 s1, $0xD;
	s1 =	sshrl.u32 s1, $0x2  }
0xba: {  	s3 =	sand.u32 $0x4000, s31;
	s1 =	sadd.s32 s1, s30  }
0xbb: {  	s0 =	sor.u32 s3, s0;
	s1 =	sshll.u32 s1, $0x11  }
0xbc: {  	s0 =	sor.u32 s1, s0  }
0xbd: {  	s0 =	sadd.s32 $0x8F2B, s0  }
0xbe: {  	[sflag:s0] =	ssyncadd.remote.s32 $0x1  }
0xbf: {  	_ =	sfence.sel $0xFFFF  }
0xc0: {  	[dreg:$0x0] =	wrdreg $0xFFFFFFFF;
	(pc) =	sbr.abs _section_cstart, $3  }
0xc1: {  	[dreg:$0x1] =	wrdreg $0xFFFFFFFF  }
0xc2: {  	_ =	task.clear_ibuf [dreg:s7], $0x2FFFF;
	_ =	strace $0x9FFFFFFF  }
0xc3: {  	(tm) =	ssettm $0x7FFFFFFF  }
tec
execute0_lowered:
.L_overlay_start_1:
0x0: {  	(tag) =	ssettag $0x1  }
0x1: {  	s1 =	rddreg [dreg:$0x0]  }
0x2: {  	s0 =	rddreg [dreg:$0x1]  }
0x3: {  	s2 =	rddreg [dreg:$0x2]  }
0x4: {  	s3 =	simm.s32 $0x0;
	s4 =	srdreg.scid;
	s8 =	stileid.u32  }
0x5: {  	s31 =	simm.s32 $0x2;
	[smem:$0x7FF] =	sst s3;
	s4 =	sand.u32 $0x1, s4  }
0x6: {  	s11 =	smul.u32 $0x18B00, s8;
	s17 =	sadd.s32 $0x14C00, s0;
	_ =	strace $0x80000047  }
0x7: {  	s5 =	ssub.s32 $0x2, s4;
	s7 =	sshll.u32 s4, $0x4;
	s4 =	smul.u32 $0x18B000, s4  }
0x8: {  	s6 =	sshrl.u32 s5, $0x1;
	s10 =	sor.u32 s8, s7;
	s19 =	sshrl.u32 s11, $0x1  }
0x9: {  	s12 =	sadd.s32 $0x5000, s11;
	s15 =	sadd.s32 $0xA000, s11;
	s16 =	sadd.s32 $0xF000, s11  }
0xa: {  	s18 =	ssub.s32 s5, s6;
	s5 =	sadd.s32 s19, s2;
	s20 =	sshrl.u32 s12, $0x1  }
0xb: {  	s21 =	sshrl.u32 s15, $0x1;
	s22 =	sshrl.u32 s16, $0x1;
	s19 =	sadd.s32 $0x14000, s11  }
0xc: {  	s13 =	smul.u32 $0x4E, s10;
	s14 =	smax.u32 s10, $0x1C;
	p0 =	sgt.u32 s10, $0x1B  }
0xd: {  	s10 =	simm.s32 $0x4F;
	s23 =	sadd.s32 s11, s4;
	s25 =	sadd.s32 s4, s12  }
0xe: {  	s28 =	sadd.s32 s4, s15;
	s29 =	sadd.s32 s4, s16;
	s6 =	sadd.s32 s20, s2  }
0xf: {  	s7 =	sadd.s32 s21, s2;
	s8 =	sadd.s32 s22, s2;
	s9 =	sshrl.u32 s19, $0x1  }
0x10: {  	s10 =	simm.s32 @!p0 $0x4E;
	s26 =	sshrl.u32 s25, $0x4;
	s16 =	sshrl.u32 s29, $0x4  }
0x11: {  	s4 =	sadd.s32 s4, s19;
	s18 =	smax.u32 s18, $0x1;
	s19 =	simm.s32 $0x4F00  }
0x12: {  	s20 =	simm.s32 $0x3;
	s21 =	simm.s32 $0x2780;
	s22 =	simm.s32 $0x80  }
0x13: {  	s9 =	sadd.s32 s9, s2;
	s13 =	sadd.s32 s13, s14;
	s14 =	sadd.s32 s17, s26  }
0x14: {  	s16 =	sadd.s32 s17, s16;
	s30 =	sshrl.u32 s4, $0x4;
	s13 =	sshll.u32 s13, $0x4  }
0x15: {  	s0 =	sadd.s32 s0, s13;
	s13 =	sshrl.u32 s23, $0x4;
	s23 =	simm.s32 $0x7700  }
0x16: {  	s24 =	sadd.s32 $0x1040, s0;
	s12 =	sadd.s32 $0xAC80, s0;
	s0 =	sshrl.u32 s28, $0x4  }
0x17: {  	s13 =	sadd.s32 s17, s13;
	[dreg:$0x4] =	wrdreg s24;
	s15 =	sadd.s32 s17, s0  }
0x18: {  	v0 =	vimm.bf16 $0.0e+00;
	s17 =	sadd.s32 s17, s30;
	s24 =	simm.s32 $0x1;
	s0 =	simm.s32 $0x0  }
.LBB2_1:
0x19: {  	s4 =	smul.u32 $0xCCCD, s3;
	_ =	sdelay $0x1  }
0x1a: {  	s25 =	sshrl.u32 s4, $0x12  }
0x1b: {  	s26 =	simm.s32 $0x0;
	s4 =	simm.s32 $0x1;
	s28 =	smul.u32 $0x5, s25  }
.LBB2_2:
0x1c: {  	s29 =	smul.u32 $0xCCCD, s4  }
0x1d: {  	s30 =	smov.u32 s4;
	s25 =	smul.u32 $0x140, s25;
	p0 =	sne.s32 s4, $0x27F  }
.Ltmp0:
0x1e: {  	s26 =	ssub.s32 s26, s28;
	(pc) =	sbr.rel @p0 .LBB2_2-.Ltmp0, $4  }
0x1f: {  	s4 =	sadd.s32 $0x1, s4;
	s26 =	sand.u32 $0xFFFF, s26  }
0x20: {  	s28 =	sshrl.u32 s25, $0x2;
	s11 =	sshll.u32 s26, $0x4;
	s26 =	smov.u32 s30  }
0x21: {  	s25 =	sshrl.u32 s29, $0x12;
	s11 =	sadd.s32 s11, s28  }
0x22: {  	s28 =	smul.u32 $0x5, s25;
	[tilespmem:s11+$0x4F00] =	vst v0  }
0x23: {  	_ = 	snop  }
0x24: {  	s11 =	smul.u32 $0x140, s25;
	s4 =	ssub.s32 s26, s28  }
0x25: {  	s4 =	sand.u32 $0xFFFF, s4  }
0x26: {  	s11 =	sshrl.u32 s11, $0x2;
	s4 =	sshll.u32 s4, $0x4  }
0x27: {  	s4 =	sadd.s32 s4, s11  }
0x28: {  	[tilespmem:s4+$0x4F00] =	vst v0  }
0x29: {  	[spmem:s5] =	stream.linear.scatter [tilespmem:s19], [sflag:$0x3], $0x2800, $0x38;
	[tilespmem:$0x1B480] =	vst v63  }
0x2a: {  	_ =	swait.ge [sflag:s20], $0x2800  }
0x2b: {  	[sflag:s20] =	ssyncset.done $0x0  }
0x2c: {  	[sflag:s20] =	ssyncadd.s32 $0xFFFFD800  }
0x2d: {  	[spmem:s6] =	stream.linear.scatter [tilespmem:s19], [sflag:$0x3], $0x2800, $0x38;
	[tilespmem:$0x1B480] =	vst v63  }
0x2e: {  	_ =	swait.ge [sflag:s20], $0x2800  }
0x2f: {  	[sflag:s20] =	ssyncset.done $0x0  }
0x30: {  	[sflag:s20] =	ssyncadd.s32 $0xFFFFD800  }
0x31: {  	[spmem:s7] =	stream.linear.scatter [tilespmem:s19], [sflag:$0x3], $0x2800, $0x38;
	[tilespmem:$0x1B480] =	vst v63  }
0x32: {  	_ =	swait.ge [sflag:s20], $0x2800  }
0x33: {  	[sflag:s20] =	ssyncset.done $0x0  }
0x34: {  	[sflag:s20] =	ssyncadd.s32 $0xFFFFD800  }
0x35: {  	[spmem:s8] =	stream.linear.scatter [tilespmem:s19], [sflag:$0x3], $0x2800, $0x38;
	[tilespmem:$0x1B480] =	vst v63  }
0x36: {  	_ =	swait.ge [sflag:s20], $0x2800  }
0x37: {  	[sflag:s20] =	ssyncset.done $0x0  }
0x38: {  	[sflag:s20] =	ssyncadd.s32 $0xFFFFD800  }
0x39: {  	[spmem:s9] =	stream.linear.scatter [tilespmem:s19], [sflag:$0x3], $0x2580, $0x38;
	[tilespmem:$0x1B480] =	vst v63  }
0x3a: {  	_ =	swait.ge [sflag:s20], $0x2580  }
0x3b: {  	[sflag:s20] =	ssyncset.done $0x0  }
0x3c: {  	[sflag:s20] =	ssyncadd.s32 $0xFFFFDA80  }
0x3d: {  	[bflag:$0x0] =	sbarrier.arrive $0xFFFF  }
0x3e: {  	s11 =	rddreg [dreg:$0x4]  }
0x3f: {  	[tilespmem:s3], [sflag:$0x3] =	stream.linear.gather [hbm4b:s11+s3], $0x2780, $0x38;
	[tilespmem:$0x1B480] =	vst v63  }
0x40: {  	_ =	swait.ge [sflag:s20], $0x2780  }
0x41: {  	[sflag:s20] =	ssyncset.done $0x0  }
0x42: {  	[sflag:s20] =	ssyncadd.s32 $0xFFFFD880  }
0x43: {  	[tilespmem:s21], [sflag:$0x3] =	stream.linear.gather [hbm4b:s12+s3], $0x2780, $0x38;
	[tilespmem:$0x1B480] =	vst v63  }
0x44: {  	_ =	swait.ge [sflag:s20], $0x2780  }
0x45: {  	[sflag:s20] =	ssyncset.done $0x0  }
0x46: {  	[sflag:s20] =	ssyncadd.s32 $0xFFFFD880  }
0x47: {  	[tilespmem:s19], [sflag:$0x1] =	stream.indirect.gather [hbm4b:s1+s22], $0x50, s3, s22, $0xb8;
	[tilespmem:$0x1B480] =	vst v63  }
0x48: {  	_ = 	snop  }
0x49: {  	[tilespmem:s23], [sflag:$0x1] =	stream.indirect.gather [hbm4b:s1+s22], $0x50, s22, s22, $0xb8;
	[tilespmem:$0x1B480] =	vst v63  }
0x4a: {  	_ =	swait.ge [sflag:s24], $0x2800  }
0x4b: {  	[sflag:s24] =	ssyncset.done $0x0  }
0x4c: {  	[sflag:s24] =	ssyncadd.s32 $0xFFFFD800  }
0x4d: {  	[spmem:s2] =	stream.indirect.scatter.add.bf16 [tilespmem:s19], [sflag:$0x2], $0x50, s21, s22, $0xb8;
	[tilespmem:$0x1B480] =	vst v63  }
0x4e: {  	s25 =	simm.s32 $0x100;
	s26 =	simm.s32 $0x9F00  }
0x4f: {  	[tilespmem:s26], [sflag:$0x1] =	stream.indirect.gather [hbm4b:s1+s22], $0x50, s25, s22, $0xb8;
	[tilespmem:$0x1B480] =	vst v63  }
0x50: {  	_ =	swait.ge [sflag:s24], $0x2800  }
0x51: {  	[sflag:s24] =	ssyncset.done $0x0  }
0x52: {  	s11 =	simm.s32 $0x2800;
	[sflag:s24] =	ssyncadd.s32 $0xFFFFD800  }
0x53: {  	[spmem:s2] =	stream.indirect.scatter.add.bf16 [tilespmem:s23], [sflag:$0x2], $0x50, s11, s22, $0xb8;
	[tilespmem:$0x1B480] =	vst v63  }
0x54: {  	s25 =	simm.s32 $0x180;
	s26 =	simm.s32 $0xC700  }
0x55: {  	[tilespmem:s26], [sflag:$0x1] =	stream.indirect.gather [hbm4b:s1+s22], $0x50, s25, s22, $0xb8;
	[tilespmem:$0x1B480] =	vst v63  }
0x56: {  	s25 =	simm.s32 $0x2  }
0x57: {  	s26 =	sand.u32 $0x3, s25  }
0x58: {  	p0 =	sle.u32 s10, $0x4;
	_ =	swait.ge [sflag:s24], $0x2800;
	s11 =	smul.u32 $0xA000, s26  }
0x59: {  	p1 =	sne.s32 s10, $0x3;
	s4 =	simm.s32 $0x2880;
	[sflag:s24] =	ssyncset.done $0x0  }
0x5a: {  	s26 =	simm.s32 $0x4;
	[sflag:s24] =	ssyncadd.s32 $0xFFFFD800;
	s11 =	sshrl.u32 s11, $0x2  }
.Ltmp1:
0x5b: {  	s28 =	sand.u32 @!p0 $0x3, s26;
	s11 =	sadd.s32 $0x4F00, s11;
	(pc) =	sbr.rel @!p1 .LBB2_5-.Ltmp1, $4  }
0x5c: {  	[spmem:s2] =	stream.indirect.scatter.add.bf16 [tilespmem:s11], [sflag:$0x2], $0x50, s4, s22, $0xb8;
	[tilespmem:$0x1B480] =	vst v63  }
0x5d: {  	s29 =	simm.s32 @!p0 $0x80;
	s11 =	smul.u32 @!p0 $0xA000, s28;
	_ =	swait.ge [sflag:s31], $0x2800  }
0x5e: {  	s25 =	simm.s32 $0x200;
	s26 =	simm.s32 $0x3;
	[sflag:s31] =	ssyncset.done $0x0  }
0x5f: {  	s28 =	simm.s32 $0x280;
	s30 =	sshrl.u32 @!p0 s11, $0x2;
	[sflag:s31] =	ssyncadd.s32 $0xFFFFD800  }
.LBB2_4:
0x60: {  	s11 =	sadd.s32 @!p0 $0x4F00, s30  }
0x61: {  	s4 =	sadd.s32 $0x80, s4;
	s30 =	smov.u32 s26;
	s26 =	sadd.s32 $0x1, s26  }
0x62: {  	[tilespmem:s11], [sflag:$0x1] =	stream.indirect.gather @!p0 [hbm4b:s1+s29], $0x50, s25, s29, $0xb8;
	[tilespmem:$0x1B480] =	vst v63  }
0x63: {  	s11 =	sand.u32 $0x3, s30;
	p1 =	sne.s32 s10, s26;
	s25 =	smov.u32 s28  }
0x64: {  	s29 =	sadd.s32 $0x2, s30;
	s11 =	smul.u32 $0xA000, s11  }
0x65: {  	p0 =	sge.u32 s29, s10;
	_ =	swait.ge [sflag:s24], $0x2800  }
0x66: {  	s29 =	sand.u32 @!p0 $0x3, s29;
	s11 =	sshrl.u32 s11, $0x2;
	[sflag:s24] =	ssyncset.done $0x0  }
.Ltmp2:
0x67: {  	s11 =	sadd.s32 $0x4F00, s11;
	[sflag:s24] =	ssyncadd.s32 $0xFFFFD800;
	(pc) =	sbr.rel @p1 .LBB2_4-.Ltmp2, $4  }
0x68: {  	[spmem:s2] =	stream.indirect.scatter.add.bf16 [tilespmem:s11], [sflag:$0x2], $0x50, s4, s22, $0xb8;
	[tilespmem:$0x1B480] =	vst v63  }
0x69: {  	s11 =	smul.u32 @!p0 $0xA000, s29;
	_ =	swait.ge [sflag:s31], $0x2800  }
0x6a: {  	s28 =	sadd.s32 $0x80, s28;
	[sflag:s31] =	ssyncset.done $0x0  }
0x6b: {  	s29 =	simm.s32 @!p0 $0x80;
	s30 =	sshrl.u32 @!p0 s11, $0x2;
	[sflag:s31] =	ssyncadd.s32 $0xFFFFD800  }
.LBB2_5:
0x6c: {  	s4 =	sadd.s32 @!p0 $0x4F00, s30  }
0x6d: {  	[tilespmem:s4], [sflag:$0x1] =	stream.indirect.gather @!p0 [hbm4b:s1+s29], $0x50, s25, s29, $0xb8;
	[tilespmem:$0x1B480] =	vst v63  }
0x6e: {  	_ =	swait.ge [sflag:s31], $0x2800  }
0x6f: {  	[sflag:s31] =	ssyncset.done $0x0  }
0x70: {  	[sflag:s31] =	ssyncadd.s32 $0xFFFFD800  }
0x71: {  	_ =	swait.ge [sflag:s31], $0x2800  }
0x72: {  	[sflag:s31] =	ssyncset.done $0x0  }
0x73: {  	[sflag:s31] =	ssyncadd.s32 $0xFFFFD800  }
0x74: {  	[bflag:$0x0] =	sbarrier.arrive $0xFFFF  }
0x75: {  	[tilespmem:s19], [sflag:$0x3] =	stream.linear.gather [spmem:s5], $0x2800, $0x38;
	[tilespmem:$0x1B480] =	vst v63  }
0x76: {  	_ =	swait.ge [sflag:s20], $0x2800  }
0x77: {  	[sflag:s20] =	ssyncset.done $0x0  }
0x78: {  	[sflag:s20] =	ssyncadd.s32 $0xFFFFD800  }
0x79: {  	[hbm4b:s13+s3] =	stream.linear.scatter [tilespmem:s19], [sflag:$0x3], $0x2800, $0x38;
	[tilespmem:$0x1B480] =	vst v63  }
0x7a: {  	_ =	swait.ge [sflag:s20], $0x2800  }
0x7b: {  	[sflag:s20] =	ssyncset.done $0x0  }
0x7c: {  	[sflag:s20] =	ssyncadd.s32 $0xFFFFD800  }
0x7d: {  	[tilespmem:s19], [sflag:$0x3] =	stream.linear.gather [spmem:s6], $0x2800, $0x38;
	[tilespmem:$0x1B480] =	vst v63  }
0x7e: {  	_ =	swait.ge [sflag:s20], $0x2800  }
0x7f: {  	[sflag:s20] =	ssyncset.done $0x0  }
0x80: {  	[sflag:s20] =	ssyncadd.s32 $0xFFFFD800  }
0x81: {  	[hbm4b:s14+s3] =	stream.linear.scatter [tilespmem:s19], [sflag:$0x3], $0x2800, $0x38;
	[tilespmem:$0x1B480] =	vst v63  }
0x82: {  	_ =	swait.ge [sflag:s20], $0x2800  }
0x83: {  	[sflag:s20] =	ssyncset.done $0x0  }
0x84: {  	[sflag:s20] =	ssyncadd.s32 $0xFFFFD800  }
0x85: {  	[tilespmem:s19], [sflag:$0x3] =	stream.linear.gather [spmem:s7], $0x2800, $0x38;
	[tilespmem:$0x1B480] =	vst v63  }
0x86: {  	_ =	swait.ge [sflag:s20], $0x2800  }
0x87: {  	[sflag:s20] =	ssyncset.done $0x0  }
0x88: {  	[sflag:s20] =	ssyncadd.s32 $0xFFFFD800  }
0x89: {  	[hbm4b:s15+s3] =	stream.linear.scatter [tilespmem:s19], [sflag:$0x3], $0x2800, $0x38;
	[tilespmem:$0x1B480] =	vst v63  }
0x8a: {  	_ =	swait.ge [sflag:s20], $0x2800  }
0x8b: {  	[sflag:s20] =	ssyncset.done $0x0  }
0x8c: {  	[sflag:s20] =	ssyncadd.s32 $0xFFFFD800  }
0x8d: {  	[tilespmem:s19], [sflag:$0x3] =	stream.linear.gather [spmem:s8], $0x2800, $0x38;
	[tilespmem:$0x1B480] =	vst v63  }
0x8e: {  	_ =	swait.ge [sflag:s20], $0x2800  }
0x8f: {  	[sflag:s20] =	ssyncset.done $0x0  }
0x90: {  	[sflag:s20] =	ssyncadd.s32 $0xFFFFD800  }
0x91: {  	[hbm4b:s16+s3] =	stream.linear.scatter [tilespmem:s19], [sflag:$0x3], $0x2800, $0x38;
	[tilespmem:$0x1B480] =	vst v63  }
0x92: {  	_ =	swait.ge [sflag:s20], $0x2800  }
0x93: {  	[sflag:s20] =	ssyncset.done $0x0  }
0x94: {  	[sflag:s20] =	ssyncadd.s32 $0xFFFFD800  }
0x95: {  	[tilespmem:s19], [sflag:$0x3] =	stream.linear.gather [spmem:s9], $0x2580, $0x38;
	[tilespmem:$0x1B480] =	vst v63  }
0x96: {  	s0 =	sadd.s32 $0x1, s0;
	_ =	swait.ge [sflag:s20], $0x2580  }
0x97: {  	p0 =	sne.s32 s0, s18;
	[sflag:s20] =	ssyncset.done $0x0  }
.Ltmp3:
0x98: {  	[sflag:s20] =	ssyncadd.s32 $0xFFFFDA80;
	(pc) =	sbr.rel @p0 .LBB2_1-.Ltmp3, $4  }
0x99: {  	[hbm4b:s17+s3] =	stream.linear.scatter [tilespmem:s19], [sflag:$0x3], $0x2580, $0x38;
	[tilespmem:$0x1B480] =	vst v63  }
0x9a: {  	_ =	swait.ge [sflag:s20], $0x2580  }
0x9b: {  	[sflag:s20] =	ssyncset.done $0x0  }
0x9c: {  	[sflag:s20] =	ssyncadd.s32 $0xFFFFDA80  }
0x9d: {  	_ =	sfence.sel $0x180000  }
0x9e: {  	[bflag:$0x0] =	sbarrier.arrive $0xFFFF  }
0x9f: {  	_ =	strace $0x90000047  }
0xa0: {  	s0 =	stileid.u32;
	[bflag:$0x2] =	sbarrier.arrive $0xFFFF  }
0xa1: {  	p0 =	sne.s32 s0, $0x0;
	s0 =	rddreg [dreg:$0x3]  }
0xa2: {  	s0 =	sadd.s32 @!p0 $0x100000, s0  }
0xa3: {  	[sflag:s0] =	ssyncadd.tile.s32 @!p0 $0x1;
	_ =	shalt  }
.Lfunc_end2:
_tile_overlayer_lowered:
.L_overlay_start_2:
0xa4: {  	(tag) =	ssettag $0x2  }
0xa5: {  	s0 =	rddreg [dreg:$0x0];
	s2 =	stileid.u32  }
0xa6: {  	s1 =	rddreg [dreg:$0x1];
	p0 =	sne.s32 s2, $0x0  }
0xa7: {  	s3 =	rddreg [dreg:$0x2];
	[bflag:$0x3] =	sbarrier.arrive $0xFFFF;
	s2 =	simm.s32 @!p0 $0x1C03  }
0xa8: {  	[timem:s3], [sflag:s2] =	dma.local @!p0 [hbm:s0], s1  }
0xa9: {  	s0 =	simm.s32 @!p0 $0x3  }
0xaa: {  	_ =	swait.ge @!p0 [sflag:s0], s1  }
0xab: {  	s1 =	ssub.s32 @!p0 $0x0, s1;
	[sflag:s0] =	ssyncset.done @!p0 $0x0  }
0xac: {  	[sflag:s0] =	ssyncadd.s32 @!p0 s1  }
0xad: {  	[bflag:$0x3] =	sbarrier.arrive $0xFFFF  }
0xae: {  	_ =	shalt  }

</sc_bundles>
